<compile_context>
chip_gen: v7x
topology: tpu7x:2x2x1
jax: 0.10.2.dev20260603
libtpu: 0.0.44.dev20260713+nightly
codegen_flags: <defaults>
</compile_context>

<pallas_src>
import jax
import jax.numpy as jnp
from jax import lax
from jax.experimental import pallas as pl
from jax.experimental.pallas import tpu as pltpu
from jax.experimental.pallas import tpu_sc as plsc

N_HASHES = 8
BUCKET = 64
NB = 32
TBLK = 512


def _argmax_first(vals, n):
    m = jnp.max(vals, axis=-1, keepdims=True)
    ids = lax.broadcasted_iota(jnp.int32, vals.shape, vals.ndim - 1)
    cand = jnp.where(vals >= m, ids, n)
    return jnp.min(cand, axis=-1)


def _stage_a(x_ref, wqk_ref, bqk_ref, wv_ref, bv_ref, rot_ref,
             qk_ref, qkn_ref, v_ref, bkt_ref):
    xb = x_ref[...]
    qk = lax.dot_general(xb, wqk_ref[...], (((1,), (1,)), ((), ())),
                         preferred_element_type=jnp.float32) + bqk_ref[...]
    vv = lax.dot_general(xb, wv_ref[...], (((1,), (1,)), ((), ())),
                         preferred_element_type=jnp.float32) + bv_ref[...]
    qkbf = qk.astype(jnp.bfloat16)
    qk_ref[...] = qkbf
    v_ref[...] = vv.astype(jnp.bfloat16)
    nrm = jnp.sqrt(jnp.sum(qk * qk, axis=1, keepdims=True))
    nrm = jnp.maximum(nrm, 1e-12)
    qkn_ref[...] = (qk * ((1.0 / 32.0) / nrm)).astype(jnp.bfloat16)
    rv = jnp.dot(qkbf, rot_ref[...], preferred_element_type=jnp.float32)
    cols = []
    for h in range(N_HASHES):
        sl = rv[:, h * (NB // 2):(h + 1) * (NB // 2)]
        vals = jnp.concatenate([sl, -sl], axis=1)
        cols.append(_argmax_first(vals, NB).reshape(-1, 1))
    colsmat = jnp.concatenate(cols, axis=1).astype(jnp.float32)
    rr = lax.broadcasted_iota(jnp.int32, (TBLK, TBLK), 0)
    cc = lax.broadcasted_iota(jnp.int32, (TBLK, TBLK), 1)
    eye = (rr == cc).astype(jnp.float32)
    bktT = lax.dot_general(colsmat, eye, (((0,), (0,)), ((), ())),
                           preferred_element_type=jnp.float32)
    bkt_ref[...] = bktT.astype(jnp.int32)


def _sc_sort(bkt_hbm, gch_hbm, buf_ref, rank_ref, out_ref, cnt_ref, off_ref):
    wid = lax.axis_index("s") * 2 + lax.axis_index("c")
    b = wid // N_HASHES
    h = wid % N_HASHES
    lid = lax.broadcasted_iota(jnp.int32, (16,), 0)

    @pl.when(wid < 2 * N_HASHES)
    def _():
        pltpu.sync_copy(bkt_hbm.at[b, h], buf_ref)
        cnt_ref[pl.ds(0, 16)] = jnp.zeros((16,), jnp.int32)
        cnt_ref[pl.ds(16, 16)] = jnp.zeros((16,), jnp.int32)

        def step1(t0, carry):
            base = t0 * 16
            bv = buf_ref[pl.ds(base, 16)]
            tot = jnp.zeros((16,), jnp.int32)
            pre = jnp.zeros((16,), jnp.int32)
            for j in range(16):
                bj = plsc.load_gather(buf_ref, [lid * 0 + (base + j)])
                eq = (bv == bj).astype(jnp.int32)
                tot = tot + eq
                pre = pre + jnp.where(lid > j, eq, 0)
            old = plsc.load_gather(cnt_ref, [bv])
            rank_ref[pl.ds(base, 16)] = old + pre
            plsc.store_scatter(cnt_ref, [bv], old + tot,
                               mask=pre == tot - 1)
            return carry

        lax.fori_loop(0, buf_ref.shape[0] // 16, step1, 0)
        c0 = cnt_ref[pl.ds(0, 16)]
        c1 = cnt_ref[pl.ds(16, 16)]
        off_ref[pl.ds(0, 16)] = plsc.cumsum(c0) - c0
        off_ref[pl.ds(16, 16)] = plsc.cumsum(c1) - c1 + jnp.sum(c0)

        def step2(t0, carry):
            base = t0 * 16
            bv = buf_ref[pl.ds(base, 16)]
            pos = plsc.load_gather(off_ref, [bv]) + rank_ref[pl.ds(base, 16)]
            out_ref[pl.ds(base, 16)] = (pos >> 6) + h * NB
            return carry

        lax.fori_loop(0, buf_ref.shape[0] // 16, step2, 0)
        pltpu.sync_copy(out_ref, gch_hbm.at[b, h])


def _onehot_chunks_t(g):
    kcol = lax.broadcasted_iota(jnp.int32, (N_HASHES * NB, 1), 0)
    u = jnp.zeros((N_HASHES * NB, g.shape[1]), jnp.float32)
    for h in range(N_HASHES):
        u = u + (g[h:h + 1, :] == kcol).astype(jnp.float32)
    return u.astype(jnp.bfloat16)


def _stage_e(qki_ref, qkn_ref, v_ref, gi_ref, gf_ref,
             wout_ref, bout_ref, out_ref, ut_ref):
    nj = qkn_ref.shape[0] // TBLK

    @pl.when(pl.program_id(1) == 0)
    def _():
        for j in range(nj):
            sl = slice(j * TBLK, (j + 1) * TBLK)
            ut_ref[:, sl] = _onehot_chunks_t(gf_ref[:, sl])

    u_i = _onehot_chunks_t(gi_ref[...])
    qki_bf = qki_ref[...]
    cb = lax.dot_general(u_i, ut_ref[...], (((0,), (0,)), ((), ())),
                         preferred_element_type=jnp.float32)
    sb = lax.dot_general(qki_bf, qkn_ref[...], (((1,), (1,)), ((), ())),
                         preferred_element_type=jnp.float32)
    w = (cb * sb).astype(jnp.bfloat16)
    acc = jnp.dot(w, v_ref[...], preferred_element_type=jnp.float32)
    out_ref[...] = lax.dot_general(
        acc.astype(jnp.bfloat16), wout_ref[...], (((1,), (1,)), ((), ())),
        preferred_element_type=jnp.float32) + bout_ref[...]


def kernel(x, Wqk, bqk, Wv, bv, Wout, bout):
    B, S, D = x.shape
    nblk = S // TBLK
    rot = jax.random.normal(jax.random.key(42), (1, D, N_HASHES, NB // 2),
                            dtype=x.dtype)
    rot2 = rot.reshape(D, N_HASHES * (NB // 2))
    xbf = x.astype(jnp.bfloat16)
    wqkbf = Wqk.astype(jnp.bfloat16)
    wvbf = Wv.astype(jnp.bfloat16)
    woutbf = Wout.astype(jnp.bfloat16)
    rotbf = rot2.astype(jnp.bfloat16)

    qk, qkn, v, bkt = pl.pallas_call(
        _stage_a,
        grid=(B, nblk),
        in_specs=[
            pl.BlockSpec((None, TBLK, D), lambda b, i: (b, i, 0)),
            pl.BlockSpec((D, D), lambda b, i: (0, 0)),
            pl.BlockSpec((1, D), lambda b, i: (0, 0)),
            pl.BlockSpec((D, D), lambda b, i: (0, 0)),
            pl.BlockSpec((1, D), lambda b, i: (0, 0)),
            pl.BlockSpec((D, N_HASHES * (NB // 2)), lambda b, i: (0, 0)),
        ],
        out_specs=[
            pl.BlockSpec((None, TBLK, D), lambda b, i: (b, i, 0)),
            pl.BlockSpec((None, TBLK, D), lambda b, i: (b, i, 0)),
            pl.BlockSpec((None, TBLK, D), lambda b, i: (b, i, 0)),
            pl.BlockSpec((None, N_HASHES, TBLK), lambda b, i: (b, 0, i)),
        ],
        out_shape=[
            jax.ShapeDtypeStruct((B, S, D), jnp.bfloat16),
            jax.ShapeDtypeStruct((B, S, D), jnp.bfloat16),
            jax.ShapeDtypeStruct((B, S, D), jnp.bfloat16),
            jax.ShapeDtypeStruct((B, N_HASHES, S), jnp.int32),
        ],
        compiler_params=pltpu.CompilerParams(
            dimension_semantics=("parallel", "parallel")),
    )(xbf, wqkbf, bqk.reshape(1, D), wvbf, bv.reshape(1, D), rotbf)

    gch = pl.kernel(
        _sc_sort,
        out_type=jax.ShapeDtypeStruct((B, N_HASHES, S), jnp.int32),
        mesh=plsc.VectorSubcoreMesh(core_axis_name="c", subcore_axis_name="s"),
        scratch_types=[
            pltpu.VMEM((S,), jnp.int32),
            pltpu.VMEM((S,), jnp.int32),
            pltpu.VMEM((S,), jnp.int32),
            pltpu.VMEM((NB,), jnp.int32),
            pltpu.VMEM((NB,), jnp.int32),
        ],
        compiler_params=pltpu.CompilerParams(needs_layout_passes=False),
    )(bkt)

    out = pl.pallas_call(
        _stage_e,
        grid=(B, nblk),
        in_specs=[
            pl.BlockSpec((None, TBLK, D), lambda b, i: (b, i, 0)),
            pl.BlockSpec((None, S, D), lambda b, i: (b, 0, 0)),
            pl.BlockSpec((None, S, D), lambda b, i: (b, 0, 0)),
            pl.BlockSpec((None, N_HASHES, TBLK), lambda b, i: (b, 0, i)),
            pl.BlockSpec((None, N_HASHES, S), lambda b, i: (b, 0, 0)),
            pl.BlockSpec((D, D), lambda b, i: (0, 0)),
            pl.BlockSpec((1, D), lambda b, i: (0, 0)),
        ],
        out_specs=pl.BlockSpec((None, TBLK, D), lambda b, i: (b, i, 0)),
        out_shape=jax.ShapeDtypeStruct((B, S, D), jnp.float32),
        scratch_shapes=[pltpu.VMEM((N_HASHES * NB, S), jnp.bfloat16)],
        compiler_params=pltpu.CompilerParams(
            dimension_semantics=("parallel", "arbitrary")),
    )(qk, qkn, v, gch, gch, woutbf, bout.reshape(1, D))

    return out

# --- scband reference (transcript-rebuilt; emitter-appended) ---
"""Pipeline reference for scband-lshattention-90245852824037 (READ-ONLY COPY).

The authoritative reference and input builder live on the scoring server;
editing this copy changes nothing except your own understanding.
"""

import jax, jax.numpy as jnp
import numpy as np

BUCKET_SIZE = 64
N_HASHES = 8


def batched_index_select(t, inds):
    b, l, d = t.shape
    inds = inds.reshape(b, -1)
    inds = jnp.broadcast_to(inds[:, :, None], (b, inds.shape[1], d))
    return jnp.take_along_axis(t, inds, axis=1)


def sort_key_val(t1, t2):
    idx = jnp.argsort(t1, axis=-1)
    values = jnp.take_along_axis(t1, idx, axis=-1)
    t2 = jnp.broadcast_to(t2, t1.shape)
    return values, jnp.take_along_axis(t2, idx, axis=-1)


def hash_vectors(n_buckets, vecs, n_hashes):
    b, s, d = vecs.shape
    assert n_buckets % 2 == 0
    rot = jax.random.normal(jax.random.key(42), (1, d, n_hashes, n_buckets // 2), dtype=vecs.dtype)
    rot = jnp.broadcast_to(rot, (b, d, n_hashes, n_buckets // 2))
    rv = jnp.einsum('btf,bfhi->bhti', vecs, rot)
    rv = jnp.concatenate([rv, -rv], axis=-1)
    buckets = jnp.argmax(rv, axis=-1)
    offsets = (jnp.arange(n_hashes) * n_buckets).reshape(1, -1, 1)
    return (buckets + offsets).reshape(b, -1)


def lsh_attention(x, Wqk, bqk, Wv, bv, Wout, bout, bucket_size=BUCKET_SIZE, n_hashes=N_HASHES):
    b, seqlen, dim = x.shape
    target = (seqlen + bucket_size * 2 - 1) // (bucket_size * 2) * (bucket_size * 2)
    pad = target - seqlen
    if pad > 0:
        x = jnp.pad(x, ((0, 0), (0, pad), (0, 0)))
    qk = x @ Wqk.T + bqk
    v = x @ Wv.T + bv
    n_buckets = target // bucket_size
    buckets = hash_vectors(n_buckets, qk, n_hashes)
    ticker = jnp.broadcast_to(jnp.arange(n_hashes * target)[None, :], buckets.shape)
    buckets_and_t = target * buckets + ticker % target
    buckets_and_t = jax.lax.stop_gradient(buckets_and_t)
    _, sticker = sort_key_val(buckets_and_t, ticker)
    undo_sort = jnp.argsort(sticker, axis=-1)
    st = sticker % target
    sqk = batched_index_select(qk, st)
    sv = batched_index_select(v, st)
    chunk = n_hashes * n_buckets
    bqk_ = sqk.reshape(b, chunk, -1, dim)
    bv_ = sv.reshape(b, chunk, -1, dim)
    bq = bqk_
    norm = jnp.maximum(jnp.linalg.norm(bqk_, axis=-1, keepdims=True), 1e-12)
    bk = bqk_ / norm
    dots = jnp.einsum('bhie,bhje->bhij', bq, bk) * dim ** (-0.5)
    bo = jnp.einsum('buij,buje->buie', dots, bv_)
    so = bo.reshape(b, -1, dim)
    o = batched_index_select(so, undo_sort)
    o = o.reshape(b, n_hashes, target, dim)
    out = jnp.sum(o, axis=1)
    out = out[:, :seqlen, :]
    return out @ Wout.T + bout


def setup_inputs(seed: int = 0):
    key = jax.random.key(seed)
    ks = jax.random.split(key, 8)
    B, S, D = 2, 2048, 1024
    x = jax.random.normal(ks[0], (B, S, D), dtype=jnp.float32)
    s = 1.0 / float(np.sqrt(D))
    Wqk = jax.random.uniform(ks[1], (D, D), minval=-s, maxval=s, dtype=jnp.float32)
    bqk = jax.random.uniform(ks[2], (D,), minval=-s, maxval=s, dtype=jnp.float32)
    Wv = jax.random.uniform(ks[3], (D, D), minval=-s, maxval=s, dtype=jnp.float32)
    bv = jax.random.uniform(ks[4], (D,), minval=-s, maxval=s, dtype=jnp.float32)
    Wout = jax.random.uniform(ks[5], (D, D), minval=-s, maxval=s, dtype=jnp.float32)
    bout = jax.random.uniform(ks[6], (D,), minval=-s, maxval=s, dtype=jnp.float32)
    return {"x": x, "Wqk": Wqk, "bqk": bqk, "Wv": Wv, "bv": bv, "Wout": Wout, "bout": bout}


def reference(x, Wqk, bqk, Wv, bv, Wout, bout):
    return lsh_attention(x, Wqk, bqk, Wv, bv, Wout, bout)

if __name__ == "__main__":
    import jax
    _d = setup_inputs()
    print(jax.jit(kernel)(*tuple(_d.values())))

</pallas_src>

<mosaic_0001>
#map = affine_map<(d0, d1) -> (0, 0, 0)>
module attributes {stable_mosaic.version = 14 : i64} {
  func.func @_sc_sort(%arg0: i32, %arg1: i32, %arg2: memref<2x8x2048xi32, #tpu.memory_space<hbm>>, %arg3: memref<2x8x2048xi32, #tpu.memory_space<hbm>>, %arg4: memref<2048xi32, #tpu.memory_space<vmem>>, %arg5: memref<2048xi32, #tpu.memory_space<vmem>>, %arg6: memref<2048xi32, #tpu.memory_space<vmem>>, %arg7: memref<32xi32, #tpu.memory_space<vmem>>, %arg8: memref<32xi32, #tpu.memory_space<vmem>>) attributes {dimension_semantics = [#tpu.dimension_semantics<core_parallel>, #tpu.dimension_semantics<subcore_parallel>], iteration_bounds = array<i64: 2, 16>, scalar_prefetch = 0 : i64, scratch_operands = 5 : i64, tpu.core_type = #tpu.core_type<sc_vector_subcore>, window_params = [{transform_indices = #map}, {transform_indices = #map}]} {
    %mul3A = arith.constant 2 : i32
    %mul3A_0 = arith.muli %arg1, %mul3A : i32
    %add3A = arith.addi %mul3A_0, %arg0 : i32
    %jit3A = arith.constant 8 : i32
    %div3A = arith.divsi %add3A, %jit3A : i32
    %sign3A = arith.constant 0 : i32
    %sign3A_1 = arith.cmpi sgt, %add3A, %sign3A : i32
    %sign3A_2 = arith.extui %sign3A_1 : i1 to i32
    %sign3A_3 = arith.constant 0 : i32
    %sign3A_4 = arith.cmpi slt, %add3A, %sign3A_3 : i32
    %sign3A_5 = arith.extui %sign3A_4 : i1 to i32
    %sign3A_6 = arith.subi %sign3A_2, %sign3A_5 : i32
    %sign3A_7 = arith.constant 0 : i32
    %sign3A_8 = arith.cmpi sgt, %jit3A, %sign3A_7 : i32
    %sign3A_9 = arith.extui %sign3A_8 : i1 to i32
    %sign3A_10 = arith.constant 0 : i32
    %sign3A_11 = arith.cmpi slt, %jit3A, %sign3A_10 : i32
    %sign3A_12 = arith.extui %sign3A_11 : i1 to i32
    %sign3A_13 = arith.subi %sign3A_9, %sign3A_12 : i32
    %ne3A = arith.cmpi ne, %sign3A_6, %sign3A_13 : i32
    %rem3A = arith.remsi %add3A, %jit3A : i32
    %ne3A_14 = arith.constant 0 : i32
    %ne3A_15 = arith.cmpi ne, %rem3A, %ne3A_14 : i32
    %and3A = arith.andi %ne3A, %ne3A_15 : i1
    %sub3A = arith.constant 1 : i32
    %sub3A_16 = arith.subi %div3A, %sub3A : i32
    %select_n3A = arith.select %and3A, %sub3A_16, %div3A : i32
    %jit3A_17 = arith.constant 8 : i32
    %eq3A = arith.constant 0 : i32
    %eq3A_18 = arith.cmpi eq, %jit3A_17, %eq3A : i32
    %jit3A_19 = arith.constant 1 : i32
    %select_n3A_20 = arith.select %eq3A_18, %jit3A_19, %jit3A_17 : i32
    %rem3A_21 = arith.remsi %add3A, %select_n3A_20 : i32
    %ne3A_22 = arith.constant 0 : i32
    %ne3A_23 = arith.cmpi ne, %rem3A_21, %ne3A_22 : i32
    %lt3A = arith.constant 0 : i32
    %lt3A_24 = arith.cmpi slt, %rem3A_21, %lt3A : i32
    %lt3A_25 = arith.constant 0 : i32
    %lt3A_26 = arith.cmpi slt, %select_n3A_20, %lt3A_25 : i32
    %ne3A_27 = arith.xori %lt3A_24, %lt3A_26 : i1
    %and3A_28 = arith.andi %ne3A_27, %ne3A_23 : i1
    %add3A_29 = arith.addi %rem3A_21, %select_n3A_20 : i32
    %select_n3A_30 = arith.select %and3A_28, %add3A_29, %rem3A_21 : i32
    %iota3A = tpu.iota {dimensions = array<i32: 0>} : vector<16xi32>
    %lt3A_31 = arith.constant 16 : i32
    %lt3A_32 = arith.cmpi slt, %add3A, %lt3A_31 : i32
    %convert_element_type3A = arith.extui %lt3A_32 : i1 to i32
    %cond3A = arith.constant 0 : i32
    %cond3A_33 = arith.cmpi ne, %convert_element_type3A, %cond3A : i32
    scf.if %cond3A_33 {
      "tpu.region"() ({
        %run_scoped3A = tpu.sem_alloc : memref<!tpu.dma_semaphore, #tpu.memory_space<semaphore_mem>>
        %dma_start3A = arith.constant 0 : i32
        %dma_start3A_70 = tpu.memref_slice %arg2[%select_n3A, %select_n3A_30, %dma_start3A] : memref<2x8x2048xi32, #tpu.memory_space<hbm>> -> memref<1x1x2048xi32, #tpu.memory_space<hbm>>
        %dma_start3A_71 = tpu.memref_squeeze %dma_start3A_70 : memref<1x1x2048xi32, #tpu.memory_space<hbm>> -> memref<2048xi32, #tpu.memory_space<hbm>>
        %dma_start3A_72 = arith.constant 0 : i32
        %dma_start3A_73 = tpu.memref_slice %arg2[%select_n3A, %select_n3A_30, %dma_start3A_72] : memref<2x8x2048xi32, #tpu.memory_space<hbm>> -> memref<1x1x2048xi32, #tpu.memory_space<hbm>>
        %dma_start3A_74 = tpu.memref_squeeze %dma_start3A_73 : memref<1x1x2048xi32, #tpu.memory_space<hbm>> -> memref<2048xi32, #tpu.memory_space<hbm>>
        tpu.enqueue_dma source(%dma_start3A_74 : memref<2048xi32, #tpu.memory_space<hbm>>) target(%arg4 : memref<2048xi32, #tpu.memory_space<vmem>>) target_semaphore(%run_scoped3A : memref<!tpu.dma_semaphore, #tpu.memory_space<semaphore_mem>>)
        %dma_wait3A = arith.constant 0 : i32
        %dma_wait3A_75 = tpu.memref_slice %arg2[%select_n3A, %select_n3A_30, %dma_wait3A] : memref<2x8x2048xi32, #tpu.memory_space<hbm>> -> memref<1x1x2048xi32, #tpu.memory_space<hbm>>
        %dma_wait3A_76 = tpu.memref_squeeze %dma_wait3A_75 : memref<1x1x2048xi32, #tpu.memory_space<hbm>> -> memref<2048xi32, #tpu.memory_space<hbm>>
        %dma_wait3A_77 = arith.constant 0 : i32
        %dma_wait3A_78 = tpu.memref_slice %arg2[%select_n3A, %select_n3A_30, %dma_wait3A_77] : memref<2x8x2048xi32, #tpu.memory_space<hbm>> -> memref<1x1x2048xi32, #tpu.memory_space<hbm>>
        %dma_wait3A_79 = tpu.memref_squeeze %dma_wait3A_78 : memref<1x1x2048xi32, #tpu.memory_space<hbm>> -> memref<2048xi32, #tpu.memory_space<hbm>>
        tpu.wait_dma2 semaphore(%run_scoped3A : memref<!tpu.dma_semaphore, #tpu.memory_space<semaphore_mem>>) src(%dma_wait3A_79 : memref<2048xi32, #tpu.memory_space<hbm>>) dst(%arg4 : memref<2048xi32, #tpu.memory_space<vmem>>)
        tpu.yield
      }) : () -> ()
      %broadcast_in_dim3A = arith.constant 0 : i32
      %broadcast_in_dim3A_34 = vector.broadcast %broadcast_in_dim3A : i32 to vector<16xi32>
      %swap3A = arith.constant 0 : index
      %swap3A_35 = tpu.vector_load %arg7[%swap3A] {strides = array<i32>} : memref<32xi32, #tpu.memory_space<vmem>>, vector<16xi32>,
      tpu.vector_store %arg7[%swap3A], %broadcast_in_dim3A_34 {strides = array<i32>} : memref<32xi32, #tpu.memory_space<vmem>>, vector<16xi32>,
      %broadcast_in_dim3A_36 = arith.constant 0 : i32
      %broadcast_in_dim3A_37 = vector.broadcast %broadcast_in_dim3A_36 : i32 to vector<16xi32>
      %swap3A_38 = arith.constant 16 : index
      %swap3A_39 = tpu.vector_load %arg7[%swap3A_38] {strides = array<i32>} : memref<32xi32, #tpu.memory_space<vmem>>, vector<16xi32>,
      tpu.vector_store %arg7[%swap3A_38], %broadcast_in_dim3A_37 {strides = array<i32>} : memref<32xi32, #tpu.memory_space<vmem>>, vector<16xi32>,
      %scan3A = arith.constant 0 : i32
      %scan3A_40 = arith.constant 0 : i32
      %scan3A_41 = arith.constant 128 : i32
      %scan3A_42 = arith.addi %scan3A_40, %scan3A_41 : i32
      %scan3A_43 = arith.constant 1 : i32
      scf.for %scan3A_70 = %scan3A_40 to %scan3A_42 step %scan3A_43  : i32 {
        %mul3A_71 = arith.constant 16 : i32
        %mul3A_72 = arith.muli %scan3A_70, %mul3A_71 : i32
        %get3A_73 = arith.index_cast %mul3A_72 : i32 to index
        %get3A_74 = tpu.vector_load %arg4[%get3A_73] {strides = array<i32>} : memref<2048xi32, #tpu.memory_space<vmem>>, vector<16xi32>,
        %broadcast_in_dim3A_75 = arith.constant 0 : i32
        %broadcast_in_dim3A_76 = vector.broadcast %broadcast_in_dim3A_75 : i32 to vector<16xi32>
        %broadcast_in_dim3A_77 = arith.constant 0 : i32
        %broadcast_in_dim3A_78 = vector.broadcast %broadcast_in_dim3A_77 : i32 to vector<16xi32>
        %mul3A_79 = arith.constant 0 : i32
        %mul3A_80 = vector.broadcast %mul3A_79 : i32 to vector<16xi32>
        %mul3A_81 = arith.muli %iota3A, %mul3A_80 : vector<16xi32>
        %add3A_82 = arith.constant 0 : i32
        %add3A_83 = arith.addi %mul3A_72, %add3A_82 : i32
        %add3A_84 = vector.broadcast %add3A_83 : i32 to vector<16xi32>
        %add3A_85 = arith.addi %mul3A_81, %add3A_84 : vector<16xi32>
        %gather3A = tpu.vector_load_idx %arg4[%add3A_85] : memref<2048xi32, #tpu.memory_space<vmem>>[vector<16xi32>], vector<16xi32>,
        %eq3A_86 = arith.cmpi eq, %get3A_74, %gather3A : vector<16xi32>
        %convert_element_type3A_87 = arith.extui %eq3A_86 : vector<16xi1> to vector<16xi32>
        %add3A_88 = arith.addi %broadcast_in_dim3A_76, %convert_element_type3A_87 : vector<16xi32>
        %gt3A = arith.constant 0 : i32
        %gt3A_89 = vector.broadcast %gt3A : i32 to vector<16xi32>
        %gt3A_90 = arith.cmpi sgt, %iota3A, %gt3A_89 : vector<16xi32>
        %jit3A_91 = arith.constant 0 : i32
        %broadcast_in_dim3A_92 = vector.broadcast %jit3A_91 : i32 to vector<16xi32>
        %select_n3A_93 = arith.select %gt3A_90, %convert_element_type3A_87, %broadcast_in_dim3A_92 : vector<16xi1>, vector<16xi32>
        %add3A_94 = arith.addi %broadcast_in_dim3A_78, %select_n3A_93 : vector<16xi32>
        %mul3A_95 = arith.constant 0 : i32
        %mul3A_96 = vector.broadcast %mul3A_95 : i32 to vector<16xi32>
        %mul3A_97 = arith.muli %iota3A, %mul3A_96 : vector<16xi32>
        %add3A_98 = arith.constant 1 : i32
        %add3A_99 = arith.addi %mul3A_72, %add3A_98 : i32
        %add3A_100 = vector.broadcast %add3A_99 : i32 to vector<16xi32>
        %add3A_101 = arith.addi %mul3A_97, %add3A_100 : vector<16xi32>
        %gather3A_102 = tpu.vector_load_idx %arg4[%add3A_101] : memref<2048xi32, #tpu.memory_space<vmem>>[vector<16xi32>], vector<16xi32>,
        %eq3A_103 = arith.cmpi eq, %get3A_74, %gather3A_102 : vector<16xi32>
        %convert_element_type3A_104 = arith.extui %eq3A_103 : vector<16xi1> to vector<16xi32>
        %add3A_105 = arith.addi %add3A_88, %convert_element_type3A_104 : vector<16xi32>
        %gt3A_106 = arith.constant 1 : i32
        %gt3A_107 = vector.broadcast %gt3A_106 : i32 to vector<16xi32>
        %gt3A_108 = arith.cmpi sgt, %iota3A, %gt3A_107 : vector<16xi32>
        %jit3A_109 = arith.constant 0 : i32
        %broadcast_in_dim3A_110 = vector.broadcast %jit3A_109 : i32 to vector<16xi32>
        %select_n3A_111 = arith.select %gt3A_108, %convert_element_type3A_104, %broadcast_in_dim3A_110 : vector<16xi1>, vector<16xi32>
        %add3A_112 = arith.addi %add3A_94, %select_n3A_111 : vector<16xi32>
        %mul3A_113 = arith.constant 0 : i32
        %mul3A_114 = vector.broadcast %mul3A_113 : i32 to vector<16xi32>
        %mul3A_115 = arith.muli %iota3A, %mul3A_114 : vector<16xi32>
        %add3A_116 = arith.constant 2 : i32
        %add3A_117 = arith.addi %mul3A_72, %add3A_116 : i32
        %add3A_118 = vector.broadcast %add3A_117 : i32 to vector<16xi32>
        %add3A_119 = arith.addi %mul3A_115, %add3A_118 : vector<16xi32>
        %gather3A_120 = tpu.vector_load_idx %arg4[%add3A_119] : memref<2048xi32, #tpu.memory_space<vmem>>[vector<16xi32>], vector<16xi32>,
        %eq3A_121 = arith.cmpi eq, %get3A_74, %gather3A_120 : vector<16xi32>
        %convert_element_type3A_122 = arith.extui %eq3A_121 : vector<16xi1> to vector<16xi32>
        %add3A_123 = arith.addi %add3A_105, %convert_element_type3A_122 : vector<16xi32>
        %gt3A_124 = arith.constant 2 : i32
        %gt3A_125 = vector.broadcast %gt3A_124 : i32 to vector<16xi32>
        %gt3A_126 = arith.cmpi sgt, %iota3A, %gt3A_125 : vector<16xi32>
        %jit3A_127 = arith.constant 0 : i32
        %broadcast_in_dim3A_128 = vector.broadcast %jit3A_127 : i32 to vector<16xi32>
        %select_n3A_129 = arith.select %gt3A_126, %convert_element_type3A_122, %broadcast_in_dim3A_128 : vector<16xi1>, vector<16xi32>
        %add3A_130 = arith.addi %add3A_112, %select_n3A_129 : vector<16xi32>
        %mul3A_131 = arith.constant 0 : i32
        %mul3A_132 = vector.broadcast %mul3A_131 : i32 to vector<16xi32>
        %mul3A_133 = arith.muli %iota3A, %mul3A_132 : vector<16xi32>
        %add3A_134 = arith.constant 3 : i32
        %add3A_135 = arith.addi %mul3A_72, %add3A_134 : i32
        %add3A_136 = vector.broadcast %add3A_135 : i32 to vector<16xi32>
        %add3A_137 = arith.addi %mul3A_133, %add3A_136 : vector<16xi32>
        %gather3A_138 = tpu.vector_load_idx %arg4[%add3A_137] : memref<2048xi32, #tpu.memory_space<vmem>>[vector<16xi32>], vector<16xi32>,
        %eq3A_139 = arith.cmpi eq, %get3A_74, %gather3A_138 : vector<16xi32>
        %convert_element_type3A_140 = arith.extui %eq3A_139 : vector<16xi1> to vector<16xi32>
        %add3A_141 = arith.addi %add3A_123, %convert_element_type3A_140 : vector<16xi32>
        %gt3A_142 = arith.constant 3 : i32
        %gt3A_143 = vector.broadcast %gt3A_142 : i32 to vector<16xi32>
        %gt3A_144 = arith.cmpi sgt, %iota3A, %gt3A_143 : vector<16xi32>
        %jit3A_145 = arith.constant 0 : i32
        %broadcast_in_dim3A_146 = vector.broadcast %jit3A_145 : i32 to vector<16xi32>
        %select_n3A_147 = arith.select %gt3A_144, %convert_element_type3A_140, %broadcast_in_dim3A_146 : vector<16xi1>, vector<16xi32>
        %add3A_148 = arith.addi %add3A_130, %select_n3A_147 : vector<16xi32>
        %mul3A_149 = arith.constant 0 : i32
        %mul3A_150 = vector.broadcast %mul3A_149 : i32 to vector<16xi32>
        %mul3A_151 = arith.muli %iota3A, %mul3A_150 : vector<16xi32>
        %add3A_152 = arith.constant 4 : i32
        %add3A_153 = arith.addi %mul3A_72, %add3A_152 : i32
        %add3A_154 = vector.broadcast %add3A_153 : i32 to vector<16xi32>
        %add3A_155 = arith.addi %mul3A_151, %add3A_154 : vector<16xi32>
        %gather3A_156 = tpu.vector_load_idx %arg4[%add3A_155] : memref<2048xi32, #tpu.memory_space<vmem>>[vector<16xi32>], vector<16xi32>,
        %eq3A_157 = arith.cmpi eq, %get3A_74, %gather3A_156 : vector<16xi32>
        %convert_element_type3A_158 = arith.extui %eq3A_157 : vector<16xi1> to vector<16xi32>
        %add3A_159 = arith.addi %add3A_141, %convert_element_type3A_158 : vector<16xi32>
        %gt3A_160 = arith.constant 4 : i32
        %gt3A_161 = vector.broadcast %gt3A_160 : i32 to vector<16xi32>
        %gt3A_162 = arith.cmpi sgt, %iota3A, %gt3A_161 : vector<16xi32>
        %jit3A_163 = arith.constant 0 : i32
        %broadcast_in_dim3A_164 = vector.broadcast %jit3A_163 : i32 to vector<16xi32>
        %select_n3A_165 = arith.select %gt3A_162, %convert_element_type3A_158, %broadcast_in_dim3A_164 : vector<16xi1>, vector<16xi32>
        %add3A_166 = arith.addi %add3A_148, %select_n3A_165 : vector<16xi32>
        %mul3A_167 = arith.constant 0 : i32
        %mul3A_168 = vector.broadcast %mul3A_167 : i32 to vector<16xi32>
        %mul3A_169 = arith.muli %iota3A, %mul3A_168 : vector<16xi32>
        %add3A_170 = arith.constant 5 : i32
        %add3A_171 = arith.addi %mul3A_72, %add3A_170 : i32
        %add3A_172 = vector.broadcast %add3A_171 : i32 to vector<16xi32>
        %add3A_173 = arith.addi %mul3A_169, %add3A_172 : vector<16xi32>
        %gather3A_174 = tpu.vector_load_idx %arg4[%add3A_173] : memref<2048xi32, #tpu.memory_space<vmem>>[vector<16xi32>], vector<16xi32>,
        %eq3A_175 = arith.cmpi eq, %get3A_74, %gather3A_174 : vector<16xi32>
        %convert_element_type3A_176 = arith.extui %eq3A_175 : vector<16xi1> to vector<16xi32>
        %add3A_177 = arith.addi %add3A_159, %convert_element_type3A_176 : vector<16xi32>
        %gt3A_178 = arith.constant 5 : i32
        %gt3A_179 = vector.broadcast %gt3A_178 : i32 to vector<16xi32>
        %gt3A_180 = arith.cmpi sgt, %iota3A, %gt3A_179 : vector<16xi32>
        %jit3A_181 = arith.constant 0 : i32
        %broadcast_in_dim3A_182 = vector.broadcast %jit3A_181 : i32 to vector<16xi32>
        %select_n3A_183 = arith.select %gt3A_180, %convert_element_type3A_176, %broadcast_in_dim3A_182 : vector<16xi1>, vector<16xi32>
        %add3A_184 = arith.addi %add3A_166, %select_n3A_183 : vector<16xi32>
        %mul3A_185 = arith.constant 0 : i32
        %mul3A_186 = vector.broadcast %mul3A_185 : i32 to vector<16xi32>
        %mul3A_187 = arith.muli %iota3A, %mul3A_186 : vector<16xi32>
        %add3A_188 = arith.constant 6 : i32
        %add3A_189 = arith.addi %mul3A_72, %add3A_188 : i32
        %add3A_190 = vector.broadcast %add3A_189 : i32 to vector<16xi32>
        %add3A_191 = arith.addi %mul3A_187, %add3A_190 : vector<16xi32>
        %gather3A_192 = tpu.vector_load_idx %arg4[%add3A_191] : memref<2048xi32, #tpu.memory_space<vmem>>[vector<16xi32>], vector<16xi32>,
        %eq3A_193 = arith.cmpi eq, %get3A_74, %gather3A_192 : vector<16xi32>
        %convert_element_type3A_194 = arith.extui %eq3A_193 : vector<16xi1> to vector<16xi32>
        %add3A_195 = arith.addi %add3A_177, %convert_element_type3A_194 : vector<16xi32>
        %gt3A_196 = arith.constant 6 : i32
        %gt3A_197 = vector.broadcast %gt3A_196 : i32 to vector<16xi32>
        %gt3A_198 = arith.cmpi sgt, %iota3A, %gt3A_197 : vector<16xi32>
        %jit3A_199 = arith.constant 0 : i32
        %broadcast_in_dim3A_200 = vector.broadcast %jit3A_199 : i32 to vector<16xi32>
        %select_n3A_201 = arith.select %gt3A_198, %convert_element_type3A_194, %broadcast_in_dim3A_200 : vector<16xi1>, vector<16xi32>
        %add3A_202 = arith.addi %add3A_184, %select_n3A_201 : vector<16xi32>
        %mul3A_203 = arith.constant 0 : i32
        %mul3A_204 = vector.broadcast %mul3A_203 : i32 to vector<16xi32>
        %mul3A_205 = arith.muli %iota3A, %mul3A_204 : vector<16xi32>
        %add3A_206 = arith.constant 7 : i32
        %add3A_207 = arith.addi %mul3A_72, %add3A_206 : i32
        %add3A_208 = vector.broadcast %add3A_207 : i32 to vector<16xi32>
        %add3A_209 = arith.addi %mul3A_205, %add3A_208 : vector<16xi32>
        %gather3A_210 = tpu.vector_load_idx %arg4[%add3A_209] : memref<2048xi32, #tpu.memory_space<vmem>>[vector<16xi32>], vector<16xi32>,
        %eq3A_211 = arith.cmpi eq, %get3A_74, %gather3A_210 : vector<16xi32>
        %convert_element_type3A_212 = arith.extui %eq3A_211 : vector<16xi1> to vector<16xi32>
        %add3A_213 = arith.addi %add3A_195, %convert_element_type3A_212 : vector<16xi32>
        %gt3A_214 = arith.constant 7 : i32
        %gt3A_215 = vector.broadcast %gt3A_214 : i32 to vector<16xi32>
        %gt3A_216 = arith.cmpi sgt, %iota3A, %gt3A_215 : vector<16xi32>
        %jit3A_217 = arith.constant 0 : i32
        %broadcast_in_dim3A_218 = vector.broadcast %jit3A_217 : i32 to vector<16xi32>
        %select_n3A_219 = arith.select %gt3A_216, %convert_element_type3A_212, %broadcast_in_dim3A_218 : vector<16xi1>, vector<16xi32>
        %add3A_220 = arith.addi %add3A_202, %select_n3A_219 : vector<16xi32>
        %mul3A_221 = arith.constant 0 : i32
        %mul3A_222 = vector.broadcast %mul3A_221 : i32 to vector<16xi32>
        %mul3A_223 = arith.muli %iota3A, %mul3A_222 : vector<16xi32>
        %add3A_224 = arith.constant 8 : i32
        %add3A_225 = arith.addi %mul3A_72, %add3A_224 : i32
        %add3A_226 = vector.broadcast %add3A_225 : i32 to vector<16xi32>
        %add3A_227 = arith.addi %mul3A_223, %add3A_226 : vector<16xi32>
        %gather3A_228 = tpu.vector_load_idx %arg4[%add3A_227] : memref<2048xi32, #tpu.memory_space<vmem>>[vector<16xi32>], vector<16xi32>,
        %eq3A_229 = arith.cmpi eq, %get3A_74, %gather3A_228 : vector<16xi32>
        %convert_element_type3A_230 = arith.extui %eq3A_229 : vector<16xi1> to vector<16xi32>
        %add3A_231 = arith.addi %add3A_213, %convert_element_type3A_230 : vector<16xi32>
        %gt3A_232 = arith.constant 8 : i32
        %gt3A_233 = vector.broadcast %gt3A_232 : i32 to vector<16xi32>
        %gt3A_234 = arith.cmpi sgt, %iota3A, %gt3A_233 : vector<16xi32>
        %jit3A_235 = arith.constant 0 : i32
        %broadcast_in_dim3A_236 = vector.broadcast %jit3A_235 : i32 to vector<16xi32>
        %select_n3A_237 = arith.select %gt3A_234, %convert_element_type3A_230, %broadcast_in_dim3A_236 : vector<16xi1>, vector<16xi32>
        %add3A_238 = arith.addi %add3A_220, %select_n3A_237 : vector<16xi32>
        %mul3A_239 = arith.constant 0 : i32
        %mul3A_240 = vector.broadcast %mul3A_239 : i32 to vector<16xi32>
        %mul3A_241 = arith.muli %iota3A, %mul3A_240 : vector<16xi32>
        %add3A_242 = arith.constant 9 : i32
        %add3A_243 = arith.addi %mul3A_72, %add3A_242 : i32
        %add3A_244 = vector.broadcast %add3A_243 : i32 to vector<16xi32>
        %add3A_245 = arith.addi %mul3A_241, %add3A_244 : vector<16xi32>
        %gather3A_246 = tpu.vector_load_idx %arg4[%add3A_245] : memref<2048xi32, #tpu.memory_space<vmem>>[vector<16xi32>], vector<16xi32>,
        %eq3A_247 = arith.cmpi eq, %get3A_74, %gather3A_246 : vector<16xi32>
        %convert_element_type3A_248 = arith.extui %eq3A_247 : vector<16xi1> to vector<16xi32>
        %add3A_249 = arith.addi %add3A_231, %convert_element_type3A_248 : vector<16xi32>
        %gt3A_250 = arith.constant 9 : i32
        %gt3A_251 = vector.broadcast %gt3A_250 : i32 to vector<16xi32>
        %gt3A_252 = arith.cmpi sgt, %iota3A, %gt3A_251 : vector<16xi32>
        %jit3A_253 = arith.constant 0 : i32
        %broadcast_in_dim3A_254 = vector.broadcast %jit3A_253 : i32 to vector<16xi32>
        %select_n3A_255 = arith.select %gt3A_252, %convert_element_type3A_248, %broadcast_in_dim3A_254 : vector<16xi1>, vector<16xi32>
        %add3A_256 = arith.addi %add3A_238, %select_n3A_255 : vector<16xi32>
        %mul3A_257 = arith.constant 0 : i32
        %mul3A_258 = vector.broadcast %mul3A_257 : i32 to vector<16xi32>
        %mul3A_259 = arith.muli %iota3A, %mul3A_258 : vector<16xi32>
        %add3A_260 = arith.constant 10 : i32
        %add3A_261 = arith.addi %mul3A_72, %add3A_260 : i32
        %add3A_262 = vector.broadcast %add3A_261 : i32 to vector<16xi32>
        %add3A_263 = arith.addi %mul3A_259, %add3A_262 : vector<16xi32>
        %gather3A_264 = tpu.vector_load_idx %arg4[%add3A_263] : memref<2048xi32, #tpu.memory_space<vmem>>[vector<16xi32>], vector<16xi32>,
        %eq3A_265 = arith.cmpi eq, %get3A_74, %gather3A_264 : vector<16xi32>
        %convert_element_type3A_266 = arith.extui %eq3A_265 : vector<16xi1> to vector<16xi32>
        %add3A_267 = arith.addi %add3A_249, %convert_element_type3A_266 : vector<16xi32>
        %gt3A_268 = arith.constant 10 : i32
        %gt3A_269 = vector.broadcast %gt3A_268 : i32 to vector<16xi32>
        %gt3A_270 = arith.cmpi sgt, %iota3A, %gt3A_269 : vector<16xi32>
        %jit3A_271 = arith.constant 0 : i32
        %broadcast_in_dim3A_272 = vector.broadcast %jit3A_271 : i32 to vector<16xi32>
        %select_n3A_273 = arith.select %gt3A_270, %convert_element_type3A_266, %broadcast_in_dim3A_272 : vector<16xi1>, vector<16xi32>
        %add3A_274 = arith.addi %add3A_256, %select_n3A_273 : vector<16xi32>
        %mul3A_275 = arith.constant 0 : i32
        %mul3A_276 = vector.broadcast %mul3A_275 : i32 to vector<16xi32>
        %mul3A_277 = arith.muli %iota3A, %mul3A_276 : vector<16xi32>
        %add3A_278 = arith.constant 11 : i32
        %add3A_279 = arith.addi %mul3A_72, %add3A_278 : i32
        %add3A_280 = vector.broadcast %add3A_279 : i32 to vector<16xi32>
        %add3A_281 = arith.addi %mul3A_277, %add3A_280 : vector<16xi32>
        %gather3A_282 = tpu.vector_load_idx %arg4[%add3A_281] : memref<2048xi32, #tpu.memory_space<vmem>>[vector<16xi32>], vector<16xi32>,
        %eq3A_283 = arith.cmpi eq, %get3A_74, %gather3A_282 : vector<16xi32>
        %convert_element_type3A_284 = arith.extui %eq3A_283 : vector<16xi1> to vector<16xi32>
        %add3A_285 = arith.addi %add3A_267, %convert_element_type3A_284 : vector<16xi32>
        %gt3A_286 = arith.constant 11 : i32
        %gt3A_287 = vector.broadcast %gt3A_286 : i32 to vector<16xi32>
        %gt3A_288 = arith.cmpi sgt, %iota3A, %gt3A_287 : vector<16xi32>
        %jit3A_289 = arith.constant 0 : i32
        %broadcast_in_dim3A_290 = vector.broadcast %jit3A_289 : i32 to vector<16xi32>
        %select_n3A_291 = arith.select %gt3A_288, %convert_element_type3A_284, %broadcast_in_dim3A_290 : vector<16xi1>, vector<16xi32>
        %add3A_292 = arith.addi %add3A_274, %select_n3A_291 : vector<16xi32>
        %mul3A_293 = arith.constant 0 : i32
        %mul3A_294 = vector.broadcast %mul3A_293 : i32 to vector<16xi32>
        %mul3A_295 = arith.muli %iota3A, %mul3A_294 : vector<16xi32>
        %add3A_296 = arith.constant 12 : i32
        %add3A_297 = arith.addi %mul3A_72, %add3A_296 : i32
        %add3A_298 = vector.broadcast %add3A_297 : i32 to vector<16xi32>
        %add3A_299 = arith.addi %mul3A_295, %add3A_298 : vector<16xi32>
        %gather3A_300 = tpu.vector_load_idx %arg4[%add3A_299] : memref<2048xi32, #tpu.memory_space<vmem>>[vector<16xi32>], vector<16xi32>,
        %eq3A_301 = arith.cmpi eq, %get3A_74, %gather3A_300 : vector<16xi32>
        %convert_element_type3A_302 = arith.extui %eq3A_301 : vector<16xi1> to vector<16xi32>
        %add3A_303 = arith.addi %add3A_285, %convert_element_type3A_302 : vector<16xi32>
        %gt3A_304 = arith.constant 12 : i32
        %gt3A_305 = vector.broadcast %gt3A_304 : i32 to vector<16xi32>
        %gt3A_306 = arith.cmpi sgt, %iota3A, %gt3A_305 : vector<16xi32>
        %jit3A_307 = arith.constant 0 : i32
        %broadcast_in_dim3A_308 = vector.broadcast %jit3A_307 : i32 to vector<16xi32>
        %select_n3A_309 = arith.select %gt3A_306, %convert_element_type3A_302, %broadcast_in_dim3A_308 : vector<16xi1>, vector<16xi32>
        %add3A_310 = arith.addi %add3A_292, %select_n3A_309 : vector<16xi32>
        %mul3A_311 = arith.constant 0 : i32
        %mul3A_312 = vector.broadcast %mul3A_311 : i32 to vector<16xi32>
        %mul3A_313 = arith.muli %iota3A, %mul3A_312 : vector<16xi32>
        %add3A_314 = arith.constant 13 : i32
        %add3A_315 = arith.addi %mul3A_72, %add3A_314 : i32
        %add3A_316 = vector.broadcast %add3A_315 : i32 to vector<16xi32>
        %add3A_317 = arith.addi %mul3A_313, %add3A_316 : vector<16xi32>
        %gather3A_318 = tpu.vector_load_idx %arg4[%add3A_317] : memref<2048xi32, #tpu.memory_space<vmem>>[vector<16xi32>], vector<16xi32>,
        %eq3A_319 = arith.cmpi eq, %get3A_74, %gather3A_318 : vector<16xi32>
        %convert_element_type3A_320 = arith.extui %eq3A_319 : vector<16xi1> to vector<16xi32>
        %add3A_321 = arith.addi %add3A_303, %convert_element_type3A_320 : vector<16xi32>
        %gt3A_322 = arith.constant 13 : i32
        %gt3A_323 = vector.broadcast %gt3A_322 : i32 to vector<16xi32>
        %gt3A_324 = arith.cmpi sgt, %iota3A, %gt3A_323 : vector<16xi32>
        %jit3A_325 = arith.constant 0 : i32
        %broadcast_in_dim3A_326 = vector.broadcast %jit3A_325 : i32 to vector<16xi32>
        %select_n3A_327 = arith.select %gt3A_324, %convert_element_type3A_320, %broadcast_in_dim3A_326 : vector<16xi1>, vector<16xi32>
        %add3A_328 = arith.addi %add3A_310, %select_n3A_327 : vector<16xi32>
        %mul3A_329 = arith.constant 0 : i32
        %mul3A_330 = vector.broadcast %mul3A_329 : i32 to vector<16xi32>
        %mul3A_331 = arith.muli %iota3A, %mul3A_330 : vector<16xi32>
        %add3A_332 = arith.constant 14 : i32
        %add3A_333 = arith.addi %mul3A_72, %add3A_332 : i32
        %add3A_334 = vector.broadcast %add3A_333 : i32 to vector<16xi32>
        %add3A_335 = arith.addi %mul3A_331, %add3A_334 : vector<16xi32>
        %gather3A_336 = tpu.vector_load_idx %arg4[%add3A_335] : memref<2048xi32, #tpu.memory_space<vmem>>[vector<16xi32>], vector<16xi32>,
        %eq3A_337 = arith.cmpi eq, %get3A_74, %gather3A_336 : vector<16xi32>
        %convert_element_type3A_338 = arith.extui %eq3A_337 : vector<16xi1> to vector<16xi32>
        %add3A_339 = arith.addi %add3A_321, %convert_element_type3A_338 : vector<16xi32>
        %gt3A_340 = arith.constant 14 : i32
        %gt3A_341 = vector.broadcast %gt3A_340 : i32 to vector<16xi32>
        %gt3A_342 = arith.cmpi sgt, %iota3A, %gt3A_341 : vector<16xi32>
        %jit3A_343 = arith.constant 0 : i32
        %broadcast_in_dim3A_344 = vector.broadcast %jit3A_343 : i32 to vector<16xi32>
        %select_n3A_345 = arith.select %gt3A_342, %convert_element_type3A_338, %broadcast_in_dim3A_344 : vector<16xi1>, vector<16xi32>
        %add3A_346 = arith.addi %add3A_328, %select_n3A_345 : vector<16xi32>
        %mul3A_347 = arith.constant 0 : i32
        %mul3A_348 = vector.broadcast %mul3A_347 : i32 to vector<16xi32>
        %mul3A_349 = arith.muli %iota3A, %mul3A_348 : vector<16xi32>
        %add3A_350 = arith.constant 15 : i32
        %add3A_351 = arith.addi %mul3A_72, %add3A_350 : i32
        %add3A_352 = vector.broadcast %add3A_351 : i32 to vector<16xi32>
        %add3A_353 = arith.addi %mul3A_349, %add3A_352 : vector<16xi32>
        %gather3A_354 = tpu.vector_load_idx %arg4[%add3A_353] : memref<2048xi32, #tpu.memory_space<vmem>>[vector<16xi32>], vector<16xi32>,
        %eq3A_355 = arith.cmpi eq, %get3A_74, %gather3A_354 : vector<16xi32>
        %convert_element_type3A_356 = arith.extui %eq3A_355 : vector<16xi1> to vector<16xi32>
        %add3A_357 = arith.addi %add3A_339, %convert_element_type3A_356 : vector<16xi32>
        %gt3A_358 = arith.constant 15 : i32
        %gt3A_359 = vector.broadcast %gt3A_358 : i32 to vector<16xi32>
        %gt3A_360 = arith.cmpi sgt, %iota3A, %gt3A_359 : vector<16xi32>
        %jit3A_361 = arith.constant 0 : i32
        %broadcast_in_dim3A_362 = vector.broadcast %jit3A_361 : i32 to vector<16xi32>
        %select_n3A_363 = arith.select %gt3A_360, %convert_element_type3A_356, %broadcast_in_dim3A_362 : vector<16xi1>, vector<16xi32>
        %add3A_364 = arith.addi %add3A_346, %select_n3A_363 : vector<16xi32>
        %gather3A_365 = tpu.vector_load_idx %arg7[%get3A_74] : memref<32xi32, #tpu.memory_space<vmem>>[vector<16xi32>], vector<16xi32>,
        %add3A_366 = arith.addi %gather3A_365, %add3A_364 : vector<16xi32>
        %swap3A_367 = arith.index_cast %mul3A_72 : i32 to index
        %swap3A_368 = tpu.vector_load %arg5[%swap3A_367] {strides = array<i32>} : memref<2048xi32, #tpu.memory_space<vmem>>, vector<16xi32>,
        tpu.vector_store %arg5[%swap3A_367], %add3A_366 {strides = array<i32>} : memref<2048xi32, #tpu.memory_space<vmem>>, vector<16xi32>,
        %add3A_369 = arith.addi %gather3A_365, %add3A_357 : vector<16xi32>
        %sub3A_370 = arith.constant 1 : i32
        %sub3A_371 = vector.broadcast %sub3A_370 : i32 to vector<16xi32>
        %sub3A_372 = arith.subi %add3A_357, %sub3A_371 : vector<16xi32>
        %eq3A_373 = arith.cmpi eq, %add3A_364, %sub3A_372 : vector<16xi32>
        tpu.vector_store_idx %arg7[%get3A_74], %add3A_369 masked %eq3A_373 : memref<32xi32, #tpu.memory_space<vmem>>[vector<16xi32>], vector<16xi32>, vector<16xi1>
      }
      %scan3A_44 = arith.constant 128 : i32
      %get3A = arith.constant 0 : index
      %get3A_45 = tpu.vector_load %arg7[%get3A] {strides = array<i32>} : memref<32xi32, #tpu.memory_space<vmem>>, vector<16xi32>,
      %get3A_46 = arith.constant 16 : index
      %get3A_47 = tpu.vector_load %arg7[%get3A_46] {strides = array<i32>} : memref<32xi32, #tpu.memory_space<vmem>>, vector<16xi32>,
      %broadcast_in_dim3A_48 = arith.constant true
      %broadcast_in_dim3A_49 = vector.broadcast %broadcast_in_dim3A_48 : i1 to vector<16xi1>
      %masked_cumsum3A = tpu.scan <sum>, %get3A_45 masked %broadcast_in_dim3A_49 : vector<16xi32>, vector<16xi1> -> vector<16xi32>
      %sub3A_50 = arith.subi %masked_cumsum3A, %get3A_45 : vector<16xi32>
      %swap3A_51 = arith.constant 0 : index
      %swap3A_52 = tpu.vector_load %arg8[%swap3A_51] {strides = array<i32>} : memref<32xi32, #tpu.memory_space<vmem>>, vector<16xi32>,
      tpu.vector_store %arg8[%swap3A_51], %sub3A_50 {strides = array<i32>} : memref<32xi32, #tpu.memory_space<vmem>>, vector<16xi32>,
      %broadcast_in_dim3A_53 = arith.constant true
      %broadcast_in_dim3A_54 = vector.broadcast %broadcast_in_dim3A_53 : i1 to vector<16xi1>
      %masked_cumsum3A_55 = tpu.scan <sum>, %get3A_47 masked %broadcast_in_dim3A_54 : vector<16xi32>, vector<16xi1> -> vector<16xi32>
      %sub3A_56 = arith.subi %masked_cumsum3A_55, %get3A_47 : vector<16xi32>
      %reduce_sum3A = arith.constant true
      %reduce_sum3A_57 = vector.broadcast %reduce_sum3A : i1 to vector<16xi1>
      %reduce_sum3A_58 = tpu.scan <sum>, %get3A_45 masked %reduce_sum3A_57 : vector<16xi32>, vector<16xi1> -> vector<16xi32>
      %reduce_sum3A_59 = vector.extract %reduce_sum3A_58[15] : i32 from vector<16xi32>
      %add3A_60 = vector.broadcast %reduce_sum3A_59 : i32 to vector<16xi32>
      %add3A_61 = arith.addi %sub3A_56, %add3A_60 : vector<16xi32>
      %swap3A_62 = arith.constant 16 : index
      %swap3A_63 = tpu.vector_load %arg8[%swap3A_62] {strides = array<i32>} : memref<32xi32, #tpu.memory_space<vmem>>, vector<16xi32>,
      tpu.vector_store %arg8[%swap3A_62], %add3A_61 {strides = array<i32>} : memref<32xi32, #tpu.memory_space<vmem>>, vector<16xi32>,
      %scan3A_64 = arith.constant 0 : i32
      %scan3A_65 = arith.constant 0 : i32
      %scan3A_66 = arith.constant 128 : i32
      %scan3A_67 = arith.addi %scan3A_65, %scan3A_66 : i32
      %scan3A_68 = arith.constant 1 : i32
      scf.for %scan3A_70 = %scan3A_65 to %scan3A_67 step %scan3A_68  : i32 {
        %mul3A_71 = arith.constant 16 : i32
        %mul3A_72 = arith.muli %scan3A_70, %mul3A_71 : i32
        %get3A_73 = arith.index_cast %mul3A_72 : i32 to index
        %get3A_74 = tpu.vector_load %arg4[%get3A_73] {strides = array<i32>} : memref<2048xi32, #tpu.memory_space<vmem>>, vector<16xi32>,
        %gather3A = tpu.vector_load_idx %arg8[%get3A_74] : memref<32xi32, #tpu.memory_space<vmem>>[vector<16xi32>], vector<16xi32>,
        %get3A_75 = arith.index_cast %mul3A_72 : i32 to index
        %get3A_76 = tpu.vector_load %arg5[%get3A_75] {strides = array<i32>} : memref<2048xi32, #tpu.memory_space<vmem>>, vector<16xi32>,
        %add3A_77 = arith.addi %gather3A, %get3A_76 : vector<16xi32>
        %shift_right_arithmetic3A = arith.constant 6 : i32
        %shift_right_arithmetic3A_78 = vector.broadcast %shift_right_arithmetic3A : i32 to vector<16xi32>
        %shift_right_arithmetic3A_79 = arith.shrsi %add3A_77, %shift_right_arithmetic3A_78 : vector<16xi32>
        %mul3A_80 = arith.constant 32 : i32
        %mul3A_81 = arith.muli %select_n3A_30, %mul3A_80 : i32
        %add3A_82 = vector.broadcast %mul3A_81 : i32 to vector<16xi32>
        %add3A_83 = arith.addi %shift_right_arithmetic3A_79, %add3A_82 : vector<16xi32>
        %swap3A_84 = arith.index_cast %mul3A_72 : i32 to index
        %swap3A_85 = tpu.vector_load %arg6[%swap3A_84] {strides = array<i32>} : memref<2048xi32, #tpu.memory_space<vmem>>, vector<16xi32>,
        tpu.vector_store %arg6[%swap3A_84], %add3A_83 {strides = array<i32>} : memref<2048xi32, #tpu.memory_space<vmem>>, vector<16xi32>,
      }
      %scan3A_69 = arith.constant 128 : i32
      "tpu.region"() ({
        %run_scoped3A = tpu.sem_alloc : memref<!tpu.dma_semaphore, #tpu.memory_space<semaphore_mem>>
        %dma_start3A = arith.constant 0 : i32
        %dma_start3A_70 = tpu.memref_slice %arg3[%select_n3A, %select_n3A_30, %dma_start3A] : memref<2x8x2048xi32, #tpu.memory_space<hbm>> -> memref<1x1x2048xi32, #tpu.memory_space<hbm>>
        %dma_start3A_71 = tpu.memref_squeeze %dma_start3A_70 : memref<1x1x2048xi32, #tpu.memory_space<hbm>> -> memref<2048xi32, #tpu.memory_space<hbm>>
        %dma_start3A_72 = arith.constant 0 : i32
        %dma_start3A_73 = tpu.memref_slice %arg3[%select_n3A, %select_n3A_30, %dma_start3A_72] : memref<2x8x2048xi32, #tpu.memory_space<hbm>> -> memref<1x1x2048xi32, #tpu.memory_space<hbm>>
        %dma_start3A_74 = tpu.memref_squeeze %dma_start3A_73 : memref<1x1x2048xi32, #tpu.memory_space<hbm>> -> memref<2048xi32, #tpu.memory_space<hbm>>
        tpu.enqueue_dma source(%arg6 : memref<2048xi32, #tpu.memory_space<vmem>>) target(%dma_start3A_74 : memref<2048xi32, #tpu.memory_space<hbm>>) target_semaphore(%run_scoped3A : memref<!tpu.dma_semaphore, #tpu.memory_space<semaphore_mem>>)
        %dma_wait3A = arith.constant 0 : i32
        %dma_wait3A_75 = tpu.memref_slice %arg3[%select_n3A, %select_n3A_30, %dma_wait3A] : memref<2x8x2048xi32, #tpu.memory_space<hbm>> -> memref<1x1x2048xi32, #tpu.memory_space<hbm>>
        %dma_wait3A_76 = tpu.memref_squeeze %dma_wait3A_75 : memref<1x1x2048xi32, #tpu.memory_space<hbm>> -> memref<2048xi32, #tpu.memory_space<hbm>>
        %dma_wait3A_77 = arith.constant 0 : i32
        %dma_wait3A_78 = tpu.memref_slice %arg3[%select_n3A, %select_n3A_30, %dma_wait3A_77] : memref<2x8x2048xi32, #tpu.memory_space<hbm>> -> memref<1x1x2048xi32, #tpu.memory_space<hbm>>
        %dma_wait3A_79 = tpu.memref_squeeze %dma_wait3A_78 : memref<1x1x2048xi32, #tpu.memory_space<hbm>> -> memref<2048xi32, #tpu.memory_space<hbm>>
        tpu.wait_dma2 semaphore(%run_scoped3A : memref<!tpu.dma_semaphore, #tpu.memory_space<semaphore_mem>>) src(%arg6 : memref<2048xi32, #tpu.memory_space<vmem>>) dst(%dma_wait3A_79 : memref<2048xi32, #tpu.memory_space<hbm>>)
        tpu.yield
      }) : () -> ()
    } else {
    }
    return
  }
}

module attributes {stable_mosaic.version = 14 : i64} {
  func.func @_stage_a(%arg0: i32, %arg1: i32, %arg2: memref<1x512x1024xbf16, #tpu.memory_space<vmem>>, %arg3: memref<1024x1024xbf16, #tpu.memory_space<vmem>>, %arg4: memref<1x1024xf32, #tpu.memory_space<vmem>>, %arg5: memref<1024x1024xbf16, #tpu.memory_space<vmem>>, %arg6: memref<1x1024xf32, #tpu.memory_space<vmem>>, %arg7: memref<1024x128xbf16, #tpu.memory_space<vmem>>, %arg8: memref<1x512x1024xbf16, #tpu.memory_space<vmem>>, %arg9: memref<1x512x1024xbf16, #tpu.memory_space<vmem>>, %arg10: memref<1x512x1024xbf16, #tpu.memory_space<vmem>>, %arg11: memref<1x8x512xi32, #tpu.memory_space<vmem>>) attributes {dimension_semantics = [#tpu.dimension_semantics<parallel>, #tpu.dimension_semantics<parallel>], iteration_bounds = array<i64: 2, 4>, scalar_prefetch = 0 : i64, scratch_operands = 0 : i64, tpu.core_type = #tpu.core_type<tc>, window_params = [{transform_indices = @transform_0, window_bounds = array<i64: 1, 512, 1024>}, {pipeline_mode = #tpu.pipeline_mode<synchronous>, transform_indices = @transform_1, window_bounds = array<i64: 1024, 1024>}, {pipeline_mode = #tpu.pipeline_mode<synchronous>, transform_indices = @transform_2, window_bounds = array<i64: 1, 1024>}, {pipeline_mode = #tpu.pipeline_mode<synchronous>, transform_indices = @transform_3, window_bounds = array<i64: 1024, 1024>}, {pipeline_mode = #tpu.pipeline_mode<synchronous>, transform_indices = @transform_4, window_bounds = array<i64: 1, 1024>}, {pipeline_mode = #tpu.pipeline_mode<synchronous>, transform_indices = @transform_5, window_bounds = array<i64: 1024, 128>}, {transform_indices = @transform_6, window_bounds = array<i64: 1, 512, 1024>}, {transform_indices = @transform_7, window_bounds = array<i64: 1, 512, 1024>}, {transform_indices = @transform_8, window_bounds = array<i64: 1, 512, 1024>}, {transform_indices = @transform_9, window_bounds = array<i64: 1, 8, 512>}]} {
    %get3A = arith.constant 0 : index
    %get3A_0 = arith.constant 0 : index
    %get3A_1 = arith.constant 0 : index
    %get3A_2 = vector.load %arg2[%get3A, %get3A_0, %get3A_1] : memref<1x512x1024xbf16, #tpu.memory_space<vmem>>, vector<1x512x1024xbf16>
    %get3A_3 = vector.shape_cast %get3A_2 : vector<1x512x1024xbf16> to vector<512x1024xbf16>
    %get3A_4 = arith.constant 0 : index
    %get3A_5 = arith.constant 0 : index
    %get3A_6 = vector.load %arg3[%get3A_4, %get3A_5] : memref<1024x1024xbf16, #tpu.memory_space<vmem>>, vector<1024x1024xbf16>
    %dot_general3A = arith.constant dense<0.000000e+00> : vector<512x1024xf32>
    %dot_general3A_7 = tpu.matmul %get3A_3, %get3A_6, %dot_general3A {dimension_numbers = #tpu.dot_dimension_numbers<[1], [1], [0], [0], [0, 0, 1, 0], [], []>, transpose_lhs_hint = false} : vector<512x1024xbf16>, vector<1024x1024xbf16>, vector<512x1024xf32> -> vector<512x1024xf32>
    %get3A_8 = arith.constant 0 : index
    %get3A_9 = arith.constant 0 : index
    %get3A_10 = vector.load %arg4[%get3A_8, %get3A_9] : memref<1x1024xf32, #tpu.memory_space<vmem>>, vector<1x1024xf32>
    %add3A = vector.broadcast %get3A_10 : vector<1x1024xf32> to vector<512x1024xf32>
    %add3A_11 = arith.addf %dot_general3A_7, %add3A : vector<512x1024xf32>
    %get3A_12 = arith.constant 0 : index
    %get3A_13 = arith.constant 0 : index
    %get3A_14 = vector.load %arg5[%get3A_12, %get3A_13] : memref<1024x1024xbf16, #tpu.memory_space<vmem>>, vector<1024x1024xbf16>
    %dot_general3A_15 = arith.constant dense<0.000000e+00> : vector<512x1024xf32>
    %dot_general3A_16 = tpu.matmul %get3A_3, %get3A_14, %dot_general3A_15 {dimension_numbers = #tpu.dot_dimension_numbers<[1], [1], [0], [0], [0, 0, 1, 0], [], []>, transpose_lhs_hint = false} : vector<512x1024xbf16>, vector<1024x1024xbf16>, vector<512x1024xf32> -> vector<512x1024xf32>
    %get3A_17 = arith.constant 0 : index
    %get3A_18 = arith.constant 0 : index
    %get3A_19 = vector.load %arg6[%get3A_17, %get3A_18] : memref<1x1024xf32, #tpu.memory_space<vmem>>, vector<1x1024xf32>
    %add3A_20 = vector.broadcast %get3A_19 : vector<1x1024xf32> to vector<512x1024xf32>
    %add3A_21 = arith.addf %dot_general3A_16, %add3A_20 : vector<512x1024xf32>
    %convert_element_type3A = arith.truncf %add3A_11 : vector<512x1024xf32> to vector<512x1024xbf16>
    %swap3A = arith.constant 0 : index
    %swap3A_22 = arith.constant 0 : index
    %swap3A_23 = arith.constant 0 : index
    %swap3A_24 = vector.load %arg8[%swap3A, %swap3A_22, %swap3A_23] : memref<1x512x1024xbf16, #tpu.memory_space<vmem>>, vector<1x512x1024xbf16>
    %swap3A_25 = vector.shape_cast %swap3A_24 : vector<1x512x1024xbf16> to vector<512x1024xbf16>
    %swap3A_26 = vector.shape_cast %convert_element_type3A : vector<512x1024xbf16> to vector<1x512x1024xbf16>
    tpu.vector_store %arg8[%swap3A, %swap3A_22, %swap3A_23], %swap3A_26 {strides = array<i32>} : memref<1x512x1024xbf16, #tpu.memory_space<vmem>>, vector<1x512x1024xbf16>,
    %convert_element_type3A_27 = arith.truncf %add3A_21 : vector<512x1024xf32> to vector<512x1024xbf16>
    %swap3A_28 = arith.constant 0 : index
    %swap3A_29 = arith.constant 0 : index
    %swap3A_30 = arith.constant 0 : index
    %swap3A_31 = vector.load %arg10[%swap3A_28, %swap3A_29, %swap3A_30] : memref<1x512x1024xbf16, #tpu.memory_space<vmem>>, vector<1x512x1024xbf16>
    %swap3A_32 = vector.shape_cast %swap3A_31 : vector<1x512x1024xbf16> to vector<512x1024xbf16>
    %swap3A_33 = vector.shape_cast %convert_element_type3A_27 : vector<512x1024xbf16> to vector<1x512x1024xbf16>
    tpu.vector_store %arg10[%swap3A_28, %swap3A_29, %swap3A_30], %swap3A_33 {strides = array<i32>} : memref<1x512x1024xbf16, #tpu.memory_space<vmem>>, vector<1x512x1024xbf16>,
    %mul3A = arith.mulf %add3A_11, %add3A_11 : vector<512x1024xf32>
    %reduce_sum3A = arith.constant dense<0.000000e+00> : vector<512xf32>
    %reduce_sum3A_34 = vector.multi_reduction <add>, %mul3A, %reduce_sum3A [1] : vector<512x1024xf32> to vector<512xf32>
    %broadcast_in_dim3A = vector.shape_cast %reduce_sum3A_34 : vector<512xf32> to vector<512x1xf32>
    %sqrt3A = math.sqrt %broadcast_in_dim3A : vector<512x1xf32>
    %max3A = arith.constant 9.99999996E-13 : f32
    %max3A_35 = vector.broadcast %max3A : f32 to vector<512x1xf32>
    %max3A_36 = arith.maximumf %sqrt3A, %max3A_35 : vector<512x1xf32>
    %div3A = arith.constant 3.125000e-02 : f32
    %div3A_37 = vector.broadcast %div3A : f32 to vector<512x1xf32>
    %div3A_38 = arith.divf %div3A_37, %max3A_36 : vector<512x1xf32>
    %mul3A_39 = vector.broadcast %div3A_38 : vector<512x1xf32> to vector<512x1024xf32>
    %mul3A_40 = arith.mulf %add3A_11, %mul3A_39 : vector<512x1024xf32>
    %convert_element_type3A_41 = arith.truncf %mul3A_40 : vector<512x1024xf32> to vector<512x1024xbf16>
    %swap3A_42 = arith.constant 0 : index
    %swap3A_43 = arith.constant 0 : index
    %swap3A_44 = arith.constant 0 : index
    %swap3A_45 = vector.load %arg9[%swap3A_42, %swap3A_43, %swap3A_44] : memref<1x512x1024xbf16, #tpu.memory_space<vmem>>, vector<1x512x1024xbf16>
    %swap3A_46 = vector.shape_cast %swap3A_45 : vector<1x512x1024xbf16> to vector<512x1024xbf16>
    %swap3A_47 = vector.shape_cast %convert_element_type3A_41 : vector<512x1024xbf16> to vector<1x512x1024xbf16>
    tpu.vector_store %arg9[%swap3A_42, %swap3A_43, %swap3A_44], %swap3A_47 {strides = array<i32>} : memref<1x512x1024xbf16, #tpu.memory_space<vmem>>, vector<1x512x1024xbf16>,
    %get3A_48 = arith.constant 0 : index
    %get3A_49 = arith.constant 0 : index
    %get3A_50 = vector.load %arg7[%get3A_48, %get3A_49] : memref<1024x128xbf16, #tpu.memory_space<vmem>>, vector<1024x128xbf16>
    %dot_general3A_51 = arith.constant dense<0.000000e+00> : vector<512x128xf32>
    %dot_general3A_52 = tpu.matmul %convert_element_type3A, %get3A_50, %dot_general3A_51 {dimension_numbers = #tpu.dot_dimension_numbers<[1], [0], [0], [1], [0, 0, 1, 1], [], []>, transpose_lhs_hint = false} : vector<512x1024xbf16>, vector<1024x128xbf16>, vector<512x128xf32> -> vector<512x128xf32>
    %slice3A = vector.extract_strided_slice %dot_general3A_52 {offsets = [0, 0], sizes = [512, 16], strides = [1, 1]} : vector<512x128xf32> to vector<512x16xf32>
    %neg3A = arith.constant 0.000000e+00 : f32
    %neg3A_53 = vector.broadcast %neg3A : f32 to vector<512x16xf32>
    %neg3A_54 = arith.subf %neg3A_53, %slice3A : vector<512x16xf32>
    %concatenate3A = tpu.concatenate %slice3A, %neg3A_54 in 1 : vector<512x16xf32>, vector<512x16xf32> -> vector<512x32xf32>
    %reduce_max3A = arith.constant dense<0xFF800000> : vector<512xf32>
    %reduce_max3A_55 = vector.multi_reduction <maximumf>, %concatenate3A, %reduce_max3A [1] : vector<512x32xf32> to vector<512xf32>
    %broadcast_in_dim3A_56 = vector.shape_cast %reduce_max3A_55 : vector<512xf32> to vector<512x1xf32>
    %iota3A = tpu.iota {dimensions = array<i32: 1>} : vector<512x32xi32>
    %ge3A = vector.broadcast %broadcast_in_dim3A_56 : vector<512x1xf32> to vector<512x32xf32>
    %ge3A_57 = arith.cmpf oge, %concatenate3A, %ge3A : vector<512x32xf32>
    %jit3A = arith.constant 32 : i32
    %broadcast_in_dim3A_58 = vector.broadcast %jit3A : i32 to vector<512x32xi32>
    %select_n3A = arith.select %ge3A_57, %iota3A, %broadcast_in_dim3A_58 : vector<512x32xi1>, vector<512x32xi32>
    %reduce_min3A = arith.constant dense<2147483647> : vector<512xi32>
    %reduce_min3A_59 = vector.multi_reduction <minsi>, %select_n3A, %reduce_min3A [1] : vector<512x32xi32> to vector<512xi32>
    %reshape3A = vector.shape_cast %reduce_min3A_59 : vector<512xi32> to vector<512x1xi32>
    %slice3A_60 = vector.extract_strided_slice %dot_general3A_52 {offsets = [0, 16], sizes = [512, 16], strides = [1, 1]} : vector<512x128xf32> to vector<512x16xf32>
    %neg3A_61 = arith.constant 0.000000e+00 : f32
    %neg3A_62 = vector.broadcast %neg3A_61 : f32 to vector<512x16xf32>
    %neg3A_63 = arith.subf %neg3A_62, %slice3A_60 : vector<512x16xf32>
    %concatenate3A_64 = tpu.concatenate %slice3A_60, %neg3A_63 in 1 : vector<512x16xf32>, vector<512x16xf32> -> vector<512x32xf32>
    %reduce_max3A_65 = arith.constant dense<0xFF800000> : vector<512xf32>
    %reduce_max3A_66 = vector.multi_reduction <maximumf>, %concatenate3A_64, %reduce_max3A_65 [1] : vector<512x32xf32> to vector<512xf32>
    %broadcast_in_dim3A_67 = vector.shape_cast %reduce_max3A_66 : vector<512xf32> to vector<512x1xf32>
    %iota3A_68 = tpu.iota {dimensions = array<i32: 1>} : vector<512x32xi32>
    %ge3A_69 = vector.broadcast %broadcast_in_dim3A_67 : vector<512x1xf32> to vector<512x32xf32>
    %ge3A_70 = arith.cmpf oge, %concatenate3A_64, %ge3A_69 : vector<512x32xf32>
    %jit3A_71 = arith.constant 32 : i32
    %broadcast_in_dim3A_72 = vector.broadcast %jit3A_71 : i32 to vector<512x32xi32>
    %select_n3A_73 = arith.select %ge3A_70, %iota3A_68, %broadcast_in_dim3A_72 : vector<512x32xi1>, vector<512x32xi32>
    %reduce_min3A_74 = arith.constant dense<2147483647> : vector<512xi32>
    %reduce_min3A_75 = vector.multi_reduction <minsi>, %select_n3A_73, %reduce_min3A_74 [1] : vector<512x32xi32> to vector<512xi32>
    %reshape3A_76 = vector.shape_cast %reduce_min3A_75 : vector<512xi32> to vector<512x1xi32>
    %slice3A_77 = vector.extract_strided_slice %dot_general3A_52 {offsets = [0, 32], sizes = [512, 16], strides = [1, 1]} : vector<512x128xf32> to vector<512x16xf32>
    %neg3A_78 = arith.constant 0.000000e+00 : f32
    %neg3A_79 = vector.broadcast %neg3A_78 : f32 to vector<512x16xf32>
    %neg3A_80 = arith.subf %neg3A_79, %slice3A_77 : vector<512x16xf32>
    %concatenate3A_81 = tpu.concatenate %slice3A_77, %neg3A_80 in 1 : vector<512x16xf32>, vector<512x16xf32> -> vector<512x32xf32>
    %reduce_max3A_82 = arith.constant dense<0xFF800000> : vector<512xf32>
    %reduce_max3A_83 = vector.multi_reduction <maximumf>, %concatenate3A_81, %reduce_max3A_82 [1] : vector<512x32xf32> to vector<512xf32>
    %broadcast_in_dim3A_84 = vector.shape_cast %reduce_max3A_83 : vector<512xf32> to vector<512x1xf32>
    %iota3A_85 = tpu.iota {dimensions = array<i32: 1>} : vector<512x32xi32>
    %ge3A_86 = vector.broadcast %broadcast_in_dim3A_84 : vector<512x1xf32> to vector<512x32xf32>
    %ge3A_87 = arith.cmpf oge, %concatenate3A_81, %ge3A_86 : vector<512x32xf32>
    %jit3A_88 = arith.constant 32 : i32
    %broadcast_in_dim3A_89 = vector.broadcast %jit3A_88 : i32 to vector<512x32xi32>
    %select_n3A_90 = arith.select %ge3A_87, %iota3A_85, %broadcast_in_dim3A_89 : vector<512x32xi1>, vector<512x32xi32>
    %reduce_min3A_91 = arith.constant dense<2147483647> : vector<512xi32>
    %reduce_min3A_92 = vector.multi_reduction <minsi>, %select_n3A_90, %reduce_min3A_91 [1] : vector<512x32xi32> to vector<512xi32>
    %reshape3A_93 = vector.shape_cast %reduce_min3A_92 : vector<512xi32> to vector<512x1xi32>
    %slice3A_94 = vector.extract_strided_slice %dot_general3A_52 {offsets = [0, 48], sizes = [512, 16], strides = [1, 1]} : vector<512x128xf32> to vector<512x16xf32>
    %neg3A_95 = arith.constant 0.000000e+00 : f32
    %neg3A_96 = vector.broadcast %neg3A_95 : f32 to vector<512x16xf32>
    %neg3A_97 = arith.subf %neg3A_96, %slice3A_94 : vector<512x16xf32>
    %concatenate3A_98 = tpu.concatenate %slice3A_94, %neg3A_97 in 1 : vector<512x16xf32>, vector<512x16xf32> -> vector<512x32xf32>
    %reduce_max3A_99 = arith.constant dense<0xFF800000> : vector<512xf32>
    %reduce_max3A_100 = vector.multi_reduction <maximumf>, %concatenate3A_98, %reduce_max3A_99 [1] : vector<512x32xf32> to vector<512xf32>
    %broadcast_in_dim3A_101 = vector.shape_cast %reduce_max3A_100 : vector<512xf32> to vector<512x1xf32>
    %iota3A_102 = tpu.iota {dimensions = array<i32: 1>} : vector<512x32xi32>
    %ge3A_103 = vector.broadcast %broadcast_in_dim3A_101 : vector<512x1xf32> to vector<512x32xf32>
    %ge3A_104 = arith.cmpf oge, %concatenate3A_98, %ge3A_103 : vector<512x32xf32>
    %jit3A_105 = arith.constant 32 : i32
    %broadcast_in_dim3A_106 = vector.broadcast %jit3A_105 : i32 to vector<512x32xi32>
    %select_n3A_107 = arith.select %ge3A_104, %iota3A_102, %broadcast_in_dim3A_106 : vector<512x32xi1>, vector<512x32xi32>
    %reduce_min3A_108 = arith.constant dense<2147483647> : vector<512xi32>
    %reduce_min3A_109 = vector.multi_reduction <minsi>, %select_n3A_107, %reduce_min3A_108 [1] : vector<512x32xi32> to vector<512xi32>
    %reshape3A_110 = vector.shape_cast %reduce_min3A_109 : vector<512xi32> to vector<512x1xi32>
    %slice3A_111 = vector.extract_strided_slice %dot_general3A_52 {offsets = [0, 64], sizes = [512, 16], strides = [1, 1]} : vector<512x128xf32> to vector<512x16xf32>
    %neg3A_112 = arith.constant 0.000000e+00 : f32
    %neg3A_113 = vector.broadcast %neg3A_112 : f32 to vector<512x16xf32>
    %neg3A_114 = arith.subf %neg3A_113, %slice3A_111 : vector<512x16xf32>
    %concatenate3A_115 = tpu.concatenate %slice3A_111, %neg3A_114 in 1 : vector<512x16xf32>, vector<512x16xf32> -> vector<512x32xf32>
    %reduce_max3A_116 = arith.constant dense<0xFF800000> : vector<512xf32>
    %reduce_max3A_117 = vector.multi_reduction <maximumf>, %concatenate3A_115, %reduce_max3A_116 [1] : vector<512x32xf32> to vector<512xf32>
    %broadcast_in_dim3A_118 = vector.shape_cast %reduce_max3A_117 : vector<512xf32> to vector<512x1xf32>
    %iota3A_119 = tpu.iota {dimensions = array<i32: 1>} : vector<512x32xi32>
    %ge3A_120 = vector.broadcast %broadcast_in_dim3A_118 : vector<512x1xf32> to vector<512x32xf32>
    %ge3A_121 = arith.cmpf oge, %concatenate3A_115, %ge3A_120 : vector<512x32xf32>
    %jit3A_122 = arith.constant 32 : i32
    %broadcast_in_dim3A_123 = vector.broadcast %jit3A_122 : i32 to vector<512x32xi32>
    %select_n3A_124 = arith.select %ge3A_121, %iota3A_119, %broadcast_in_dim3A_123 : vector<512x32xi1>, vector<512x32xi32>
    %reduce_min3A_125 = arith.constant dense<2147483647> : vector<512xi32>
    %reduce_min3A_126 = vector.multi_reduction <minsi>, %select_n3A_124, %reduce_min3A_125 [1] : vector<512x32xi32> to vector<512xi32>
    %reshape3A_127 = vector.shape_cast %reduce_min3A_126 : vector<512xi32> to vector<512x1xi32>
    %slice3A_128 = vector.extract_strided_slice %dot_general3A_52 {offsets = [0, 80], sizes = [512, 16], strides = [1, 1]} : vector<512x128xf32> to vector<512x16xf32>
    %neg3A_129 = arith.constant 0.000000e+00 : f32
    %neg3A_130 = vector.broadcast %neg3A_129 : f32 to vector<512x16xf32>
    %neg3A_131 = arith.subf %neg3A_130, %slice3A_128 : vector<512x16xf32>
    %concatenate3A_132 = tpu.concatenate %slice3A_128, %neg3A_131 in 1 : vector<512x16xf32>, vector<512x16xf32> -> vector<512x32xf32>
    %reduce_max3A_133 = arith.constant dense<0xFF800000> : vector<512xf32>
    %reduce_max3A_134 = vector.multi_reduction <maximumf>, %concatenate3A_132, %reduce_max3A_133 [1] : vector<512x32xf32> to vector<512xf32>
    %broadcast_in_dim3A_135 = vector.shape_cast %reduce_max3A_134 : vector<512xf32> to vector<512x1xf32>
    %iota3A_136 = tpu.iota {dimensions = array<i32: 1>} : vector<512x32xi32>
    %ge3A_137 = vector.broadcast %broadcast_in_dim3A_135 : vector<512x1xf32> to vector<512x32xf32>
    %ge3A_138 = arith.cmpf oge, %concatenate3A_132, %ge3A_137 : vector<512x32xf32>
    %jit3A_139 = arith.constant 32 : i32
    %broadcast_in_dim3A_140 = vector.broadcast %jit3A_139 : i32 to vector<512x32xi32>
    %select_n3A_141 = arith.select %ge3A_138, %iota3A_136, %broadcast_in_dim3A_140 : vector<512x32xi1>, vector<512x32xi32>
    %reduce_min3A_142 = arith.constant dense<2147483647> : vector<512xi32>
    %reduce_min3A_143 = vector.multi_reduction <minsi>, %select_n3A_141, %reduce_min3A_142 [1] : vector<512x32xi32> to vector<512xi32>
    %reshape3A_144 = vector.shape_cast %reduce_min3A_143 : vector<512xi32> to vector<512x1xi32>
    %slice3A_145 = vector.extract_strided_slice %dot_general3A_52 {offsets = [0, 96], sizes = [512, 16], strides = [1, 1]} : vector<512x128xf32> to vector<512x16xf32>
    %neg3A_146 = arith.constant 0.000000e+00 : f32
    %neg3A_147 = vector.broadcast %neg3A_146 : f32 to vector<512x16xf32>
    %neg3A_148 = arith.subf %neg3A_147, %slice3A_145 : vector<512x16xf32>
    %concatenate3A_149 = tpu.concatenate %slice3A_145, %neg3A_148 in 1 : vector<512x16xf32>, vector<512x16xf32> -> vector<512x32xf32>
    %reduce_max3A_150 = arith.constant dense<0xFF800000> : vector<512xf32>
    %reduce_max3A_151 = vector.multi_reduction <maximumf>, %concatenate3A_149, %reduce_max3A_150 [1] : vector<512x32xf32> to vector<512xf32>
    %broadcast_in_dim3A_152 = vector.shape_cast %reduce_max3A_151 : vector<512xf32> to vector<512x1xf32>
    %iota3A_153 = tpu.iota {dimensions = array<i32: 1>} : vector<512x32xi32>
    %ge3A_154 = vector.broadcast %broadcast_in_dim3A_152 : vector<512x1xf32> to vector<512x32xf32>
    %ge3A_155 = arith.cmpf oge, %concatenate3A_149, %ge3A_154 : vector<512x32xf32>
    %jit3A_156 = arith.constant 32 : i32
    %broadcast_in_dim3A_157 = vector.broadcast %jit3A_156 : i32 to vector<512x32xi32>
    %select_n3A_158 = arith.select %ge3A_155, %iota3A_153, %broadcast_in_dim3A_157 : vector<512x32xi1>, vector<512x32xi32>
    %reduce_min3A_159 = arith.constant dense<2147483647> : vector<512xi32>
    %reduce_min3A_160 = vector.multi_reduction <minsi>, %select_n3A_158, %reduce_min3A_159 [1] : vector<512x32xi32> to vector<512xi32>
    %reshape3A_161 = vector.shape_cast %reduce_min3A_160 : vector<512xi32> to vector<512x1xi32>
    %slice3A_162 = vector.extract_strided_slice %dot_general3A_52 {offsets = [0, 112], sizes = [512, 16], strides = [1, 1]} : vector<512x128xf32> to vector<512x16xf32>
    %neg3A_163 = arith.constant 0.000000e+00 : f32
    %neg3A_164 = vector.broadcast %neg3A_163 : f32 to vector<512x16xf32>
    %neg3A_165 = arith.subf %neg3A_164, %slice3A_162 : vector<512x16xf32>
    %concatenate3A_166 = tpu.concatenate %slice3A_162, %neg3A_165 in 1 : vector<512x16xf32>, vector<512x16xf32> -> vector<512x32xf32>
    %reduce_max3A_167 = arith.constant dense<0xFF800000> : vector<512xf32>
    %reduce_max3A_168 = vector.multi_reduction <maximumf>, %concatenate3A_166, %reduce_max3A_167 [1] : vector<512x32xf32> to vector<512xf32>
    %broadcast_in_dim3A_169 = vector.shape_cast %reduce_max3A_168 : vector<512xf32> to vector<512x1xf32>
    %iota3A_170 = tpu.iota {dimensions = array<i32: 1>} : vector<512x32xi32>
    %ge3A_171 = vector.broadcast %broadcast_in_dim3A_169 : vector<512x1xf32> to vector<512x32xf32>
    %ge3A_172 = arith.cmpf oge, %concatenate3A_166, %ge3A_171 : vector<512x32xf32>
    %jit3A_173 = arith.constant 32 : i32
    %broadcast_in_dim3A_174 = vector.broadcast %jit3A_173 : i32 to vector<512x32xi32>
    %select_n3A_175 = arith.select %ge3A_172, %iota3A_170, %broadcast_in_dim3A_174 : vector<512x32xi1>, vector<512x32xi32>
    %reduce_min3A_176 = arith.constant dense<2147483647> : vector<512xi32>
    %reduce_min3A_177 = vector.multi_reduction <minsi>, %select_n3A_175, %reduce_min3A_176 [1] : vector<512x32xi32> to vector<512xi32>
    %reshape3A_178 = vector.shape_cast %reduce_min3A_177 : vector<512xi32> to vector<512x1xi32>
    %concatenate3A_179 = tpu.concatenate %reshape3A, %reshape3A_76, %reshape3A_93, %reshape3A_110, %reshape3A_127, %reshape3A_144, %reshape3A_161, %reshape3A_178 in 1 : vector<512x1xi32>, vector<512x1xi32>, vector<512x1xi32>, vector<512x1xi32>, vector<512x1xi32>, vector<512x1xi32>, vector<512x1xi32>, vector<512x1xi32> -> vector<512x8xi32>
    %convert_element_type3A_180 = arith.sitofp %concatenate3A_179 : vector<512x8xi32> to vector<512x8xf32>
    %iota3A_181 = tpu.iota {dimensions = array<i32: 0>} : vector<512x512xi32>
    %iota3A_182 = tpu.iota {dimensions = array<i32: 1>} : vector<512x512xi32>
    %eq3A = arith.cmpi eq, %iota3A_181, %iota3A_182 : vector<512x512xi32>
    %convert_element_type3A_183 = arith.extui %eq3A : vector<512x512xi1> to vector<512x512xi32>
    %convert_element_type3A_184 = arith.sitofp %convert_element_type3A_183 : vector<512x512xi32> to vector<512x512xf32>
    %dot_general3A_185 = arith.constant dense<0.000000e+00> : vector<8x512xf32>
    %dot_general3A_186 = tpu.matmul %convert_element_type3A_180, %convert_element_type3A_184, %dot_general3A_185 {dimension_numbers = #tpu.dot_dimension_numbers<[0], [0], [1], [1], [0, 1, 1, 1], [], []>, transpose_lhs_hint = false} : vector<512x8xf32>, vector<512x512xf32>, vector<8x512xf32> -> vector<8x512xf32>
    %convert_element_type3A_187 = arith.fptosi %dot_general3A_186 : vector<8x512xf32> to vector<8x512xi32>
    %swap3A_188 = arith.constant 0 : index
    %swap3A_189 = arith.constant 0 : index
    %swap3A_190 = arith.constant 0 : index
    %swap3A_191 = vector.load %arg11[%swap3A_188, %swap3A_189, %swap3A_190] : memref<1x8x512xi32, #tpu.memory_space<vmem>>, vector<1x8x512xi32>
    %swap3A_192 = vector.shape_cast %swap3A_191 : vector<1x8x512xi32> to vector<8x512xi32>
    %swap3A_193 = vector.shape_cast %convert_element_type3A_187 : vector<8x512xi32> to vector<1x8x512xi32>
    tpu.vector_store %arg11[%swap3A_188, %swap3A_189, %swap3A_190], %swap3A_193 {strides = array<i32>} : memref<1x8x512xi32, #tpu.memory_space<vmem>>, vector<1x8x512xi32>,
    return
  }
  func.func @transform_0(%arg0: i32, %arg1: i32) -> (i32, i32, i32) {
    %c0_i32 = arith.constant 0 : i32
    %c0_i32_0 = arith.constant 0 : i32
    return %arg0, %arg1, %c0_i32 : i32, i32, i32
  }
  func.func @transform_1(%arg0: i32, %arg1: i32) -> (i32, i32) {
    %c0_i32 = arith.constant 0 : i32
    %c0_i32_0 = arith.constant 0 : i32
    %c0_i32_1 = arith.constant 0 : i32
    return %c0_i32, %c0_i32_0 : i32, i32
  }
  func.func @transform_2(%arg0: i32, %arg1: i32) -> (i32, i32) {
    %c0_i32 = arith.constant 0 : i32
    %c0_i32_0 = arith.constant 0 : i32
    %c0_i32_1 = arith.constant 0 : i32
    return %c0_i32, %c0_i32_0 : i32, i32
  }
  func.func @transform_3(%arg0: i32, %arg1: i32) -> (i32, i32) {
    %c0_i32 = arith.constant 0 : i32
    %c0_i32_0 = arith.constant 0 : i32
    %c0_i32_1 = arith.constant 0 : i32
    return %c0_i32, %c0_i32_0 : i32, i32
  }
  func.func @transform_4(%arg0: i32, %arg1: i32) -> (i32, i32) {
    %c0_i32 = arith.constant 0 : i32
    %c0_i32_0 = arith.constant 0 : i32
    %c0_i32_1 = arith.constant 0 : i32
    return %c0_i32, %c0_i32_0 : i32, i32
  }
  func.func @transform_5(%arg0: i32, %arg1: i32) -> (i32, i32) {
    %c0_i32 = arith.constant 0 : i32
    %c0_i32_0 = arith.constant 0 : i32
    %c0_i32_1 = arith.constant 0 : i32
    return %c0_i32, %c0_i32_0 : i32, i32
  }
  func.func @transform_6(%arg0: i32, %arg1: i32) -> (i32, i32, i32) {
    %c0_i32 = arith.constant 0 : i32
    %c0_i32_0 = arith.constant 0 : i32
    return %arg0, %arg1, %c0_i32 : i32, i32, i32
  }
  func.func @transform_7(%arg0: i32, %arg1: i32) -> (i32, i32, i32) {
    %c0_i32 = arith.constant 0 : i32
    %c0_i32_0 = arith.constant 0 : i32
    return %arg0, %arg1, %c0_i32 : i32, i32, i32
  }
  func.func @transform_8(%arg0: i32, %arg1: i32) -> (i32, i32, i32) {
    %c0_i32 = arith.constant 0 : i32
    %c0_i32_0 = arith.constant 0 : i32
    return %arg0, %arg1, %c0_i32 : i32, i32, i32
  }
  func.func @transform_9(%arg0: i32, %arg1: i32) -> (i32, i32, i32) {
    %c0_i32 = arith.constant 0 : i32
    %c0_i32_0 = arith.constant 0 : i32
    return %arg0, %c0_i32, %arg1 : i32, i32, i32
  }
}

module attributes {stable_mosaic.version = 14 : i64} {
  func.func @_stage_e(%arg0: i32, %arg1: i32, %arg2: memref<1x512x1024xbf16, #tpu.memory_space<vmem>>, %arg3: memref<1x2048x1024xbf16, #tpu.memory_space<vmem>>, %arg4: memref<1x2048x1024xbf16, #tpu.memory_space<vmem>>, %arg5: memref<1x8x512xi32, #tpu.memory_space<vmem>>, %arg6: memref<1x8x2048xi32, #tpu.memory_space<vmem>>, %arg7: memref<1024x1024xbf16, #tpu.memory_space<vmem>>, %arg8: memref<1x1024xf32, #tpu.memory_space<vmem>>, %arg9: memref<1x512x1024xf32, #tpu.memory_space<vmem>>, %arg10: memref<256x2048xbf16, #tpu.memory_space<vmem>>) attributes {dimension_semantics = [#tpu.dimension_semantics<parallel>, #tpu.dimension_semantics<arbitrary>], iteration_bounds = array<i64: 2, 4>, scalar_prefetch = 0 : i64, scratch_operands = 1 : i64, tpu.core_type = #tpu.core_type<tc>, window_params = [{transform_indices = @transform_0, window_bounds = array<i64: 1, 512, 1024>}, {transform_indices = @transform_1, window_bounds = array<i64: 1, 2048, 1024>}, {transform_indices = @transform_2, window_bounds = array<i64: 1, 2048, 1024>}, {transform_indices = @transform_3, window_bounds = array<i64: 1, 8, 512>}, {transform_indices = @transform_4, window_bounds = array<i64: 1, 8, 2048>}, {pipeline_mode = #tpu.pipeline_mode<synchronous>, transform_indices = @transform_5, window_bounds = array<i64: 1024, 1024>}, {pipeline_mode = #tpu.pipeline_mode<synchronous>, transform_indices = @transform_6, window_bounds = array<i64: 1, 1024>}, {transform_indices = @transform_7, window_bounds = array<i64: 1, 512, 1024>}]} {
    %eq3A = arith.constant 0 : i32
    %eq3A_0 = arith.cmpi eq, %arg1, %eq3A : i32
    %convert_element_type3A = arith.extui %eq3A_0 : i1 to i32
    %cond3A = arith.constant 0 : i32
    %cond3A_1 = arith.cmpi ne, %convert_element_type3A, %cond3A : i32
    scf.if %cond3A_1 {
      %get3A_102 = arith.constant 0 : index
      %get3A_103 = arith.constant 0 : index
      %get3A_104 = arith.constant 0 : index
      %get3A_105 = vector.load %arg6[%get3A_102, %get3A_103, %get3A_104] : memref<1x8x2048xi32, #tpu.memory_space<vmem>>, vector<1x8x512xi32>
      %get3A_106 = vector.shape_cast %get3A_105 : vector<1x8x512xi32> to vector<8x512xi32>
      %iota3A_107 = tpu.iota {dimensions = array<i32: 0>} : vector<256x1xi32>
      %broadcast_in_dim3A_108 = arith.constant 0.000000e+00 : f32
      %broadcast_in_dim3A_109 = vector.broadcast %broadcast_in_dim3A_108 : f32 to vector<256x512xf32>
      %slice3A_110 = vector.extract_strided_slice %get3A_106 {offsets = [0, 0], sizes = [1, 512], strides = [1, 1]} : vector<8x512xi32> to vector<1x512xi32>
      %eq3A_111 = vector.broadcast %slice3A_110 : vector<1x512xi32> to vector<256x512xi32>
      %eq3A_112 = vector.broadcast %iota3A_107 : vector<256x1xi32> to vector<256x512xi32>
      %eq3A_113 = arith.cmpi eq, %eq3A_111, %eq3A_112 : vector<256x512xi32>
      %convert_element_type3A_114 = arith.extui %eq3A_113 : vector<256x512xi1> to vector<256x512xi32>
      %convert_element_type3A_115 = arith.sitofp %convert_element_type3A_114 : vector<256x512xi32> to vector<256x512xf32>
      %add3A_116 = arith.addf %broadcast_in_dim3A_109, %convert_element_type3A_115 : vector<256x512xf32>
      %slice3A_117 = vector.extract_strided_slice %get3A_106 {offsets = [1, 0], sizes = [1, 512], strides = [1, 1]} : vector<8x512xi32> to vector<1x512xi32>
      %eq3A_118 = vector.broadcast %slice3A_117 : vector<1x512xi32> to vector<256x512xi32>
      %eq3A_119 = vector.broadcast %iota3A_107 : vector<256x1xi32> to vector<256x512xi32>
      %eq3A_120 = arith.cmpi eq, %eq3A_118, %eq3A_119 : vector<256x512xi32>
      %convert_element_type3A_121 = arith.extui %eq3A_120 : vector<256x512xi1> to vector<256x512xi32>
      %convert_element_type3A_122 = arith.sitofp %convert_element_type3A_121 : vector<256x512xi32> to vector<256x512xf32>
      %add3A_123 = arith.addf %add3A_116, %convert_element_type3A_122 : vector<256x512xf32>
      %slice3A_124 = vector.extract_strided_slice %get3A_106 {offsets = [2, 0], sizes = [1, 512], strides = [1, 1]} : vector<8x512xi32> to vector<1x512xi32>
      %eq3A_125 = vector.broadcast %slice3A_124 : vector<1x512xi32> to vector<256x512xi32>
      %eq3A_126 = vector.broadcast %iota3A_107 : vector<256x1xi32> to vector<256x512xi32>
      %eq3A_127 = arith.cmpi eq, %eq3A_125, %eq3A_126 : vector<256x512xi32>
      %convert_element_type3A_128 = arith.extui %eq3A_127 : vector<256x512xi1> to vector<256x512xi32>
      %convert_element_type3A_129 = arith.sitofp %convert_element_type3A_128 : vector<256x512xi32> to vector<256x512xf32>
      %add3A_130 = arith.addf %add3A_123, %convert_element_type3A_129 : vector<256x512xf32>
      %slice3A_131 = vector.extract_strided_slice %get3A_106 {offsets = [3, 0], sizes = [1, 512], strides = [1, 1]} : vector<8x512xi32> to vector<1x512xi32>
      %eq3A_132 = vector.broadcast %slice3A_131 : vector<1x512xi32> to vector<256x512xi32>
      %eq3A_133 = vector.broadcast %iota3A_107 : vector<256x1xi32> to vector<256x512xi32>
      %eq3A_134 = arith.cmpi eq, %eq3A_132, %eq3A_133 : vector<256x512xi32>
      %convert_element_type3A_135 = arith.extui %eq3A_134 : vector<256x512xi1> to vector<256x512xi32>
      %convert_element_type3A_136 = arith.sitofp %convert_element_type3A_135 : vector<256x512xi32> to vector<256x512xf32>
      %add3A_137 = arith.addf %add3A_130, %convert_element_type3A_136 : vector<256x512xf32>
      %slice3A_138 = vector.extract_strided_slice %get3A_106 {offsets = [4, 0], sizes = [1, 512], strides = [1, 1]} : vector<8x512xi32> to vector<1x512xi32>
      %eq3A_139 = vector.broadcast %slice3A_138 : vector<1x512xi32> to vector<256x512xi32>
      %eq3A_140 = vector.broadcast %iota3A_107 : vector<256x1xi32> to vector<256x512xi32>
      %eq3A_141 = arith.cmpi eq, %eq3A_139, %eq3A_140 : vector<256x512xi32>
      %convert_element_type3A_142 = arith.extui %eq3A_141 : vector<256x512xi1> to vector<256x512xi32>
      %convert_element_type3A_143 = arith.sitofp %convert_element_type3A_142 : vector<256x512xi32> to vector<256x512xf32>
      %add3A_144 = arith.addf %add3A_137, %convert_element_type3A_143 : vector<256x512xf32>
      %slice3A_145 = vector.extract_strided_slice %get3A_106 {offsets = [5, 0], sizes = [1, 512], strides = [1, 1]} : vector<8x512xi32> to vector<1x512xi32>
      %eq3A_146 = vector.broadcast %slice3A_145 : vector<1x512xi32> to vector<256x512xi32>
      %eq3A_147 = vector.broadcast %iota3A_107 : vector<256x1xi32> to vector<256x512xi32>
      %eq3A_148 = arith.cmpi eq, %eq3A_146, %eq3A_147 : vector<256x512xi32>
      %convert_element_type3A_149 = arith.extui %eq3A_148 : vector<256x512xi1> to vector<256x512xi32>
      %convert_element_type3A_150 = arith.sitofp %convert_element_type3A_149 : vector<256x512xi32> to vector<256x512xf32>
      %add3A_151 = arith.addf %add3A_144, %convert_element_type3A_150 : vector<256x512xf32>
      %slice3A_152 = vector.extract_strided_slice %get3A_106 {offsets = [6, 0], sizes = [1, 512], strides = [1, 1]} : vector<8x512xi32> to vector<1x512xi32>
      %eq3A_153 = vector.broadcast %slice3A_152 : vector<1x512xi32> to vector<256x512xi32>
      %eq3A_154 = vector.broadcast %iota3A_107 : vector<256x1xi32> to vector<256x512xi32>
      %eq3A_155 = arith.cmpi eq, %eq3A_153, %eq3A_154 : vector<256x512xi32>
      %convert_element_type3A_156 = arith.extui %eq3A_155 : vector<256x512xi1> to vector<256x512xi32>
      %convert_element_type3A_157 = arith.sitofp %convert_element_type3A_156 : vector<256x512xi32> to vector<256x512xf32>
      %add3A_158 = arith.addf %add3A_151, %convert_element_type3A_157 : vector<256x512xf32>
      %slice3A_159 = vector.extract_strided_slice %get3A_106 {offsets = [7, 0], sizes = [1, 512], strides = [1, 1]} : vector<8x512xi32> to vector<1x512xi32>
      %eq3A_160 = vector.broadcast %slice3A_159 : vector<1x512xi32> to vector<256x512xi32>
      %eq3A_161 = vector.broadcast %iota3A_107 : vector<256x1xi32> to vector<256x512xi32>
      %eq3A_162 = arith.cmpi eq, %eq3A_160, %eq3A_161 : vector<256x512xi32>
      %convert_element_type3A_163 = arith.extui %eq3A_162 : vector<256x512xi1> to vector<256x512xi32>
      %convert_element_type3A_164 = arith.sitofp %convert_element_type3A_163 : vector<256x512xi32> to vector<256x512xf32>
      %add3A_165 = arith.addf %add3A_158, %convert_element_type3A_164 : vector<256x512xf32>
      %convert_element_type3A_166 = arith.truncf %add3A_165 : vector<256x512xf32> to vector<256x512xbf16>
      %swap3A_167 = arith.constant 0 : index
      %swap3A_168 = arith.constant 0 : index
      %swap3A_169 = vector.load %arg10[%swap3A_167, %swap3A_168] : memref<256x2048xbf16, #tpu.memory_space<vmem>>, vector<256x512xbf16>
      tpu.vector_store %arg10[%swap3A_167, %swap3A_168], %convert_element_type3A_166 {strides = array<i32>} : memref<256x2048xbf16, #tpu.memory_space<vmem>>, vector<256x512xbf16>,
      %get3A_170 = arith.constant 0 : index
      %get3A_171 = arith.constant 0 : index
      %get3A_172 = arith.constant 512 : index
      %get3A_173 = vector.load %arg6[%get3A_170, %get3A_171, %get3A_172] : memref<1x8x2048xi32, #tpu.memory_space<vmem>>, vector<1x8x512xi32>
      %get3A_174 = vector.shape_cast %get3A_173 : vector<1x8x512xi32> to vector<8x512xi32>
      %iota3A_175 = tpu.iota {dimensions = array<i32: 0>} : vector<256x1xi32>
      %broadcast_in_dim3A_176 = arith.constant 0.000000e+00 : f32
      %broadcast_in_dim3A_177 = vector.broadcast %broadcast_in_dim3A_176 : f32 to vector<256x512xf32>
      %slice3A_178 = vector.extract_strided_slice %get3A_174 {offsets = [0, 0], sizes = [1, 512], strides = [1, 1]} : vector<8x512xi32> to vector<1x512xi32>
      %eq3A_179 = vector.broadcast %slice3A_178 : vector<1x512xi32> to vector<256x512xi32>
      %eq3A_180 = vector.broadcast %iota3A_175 : vector<256x1xi32> to vector<256x512xi32>
      %eq3A_181 = arith.cmpi eq, %eq3A_179, %eq3A_180 : vector<256x512xi32>
      %convert_element_type3A_182 = arith.extui %eq3A_181 : vector<256x512xi1> to vector<256x512xi32>
      %convert_element_type3A_183 = arith.sitofp %convert_element_type3A_182 : vector<256x512xi32> to vector<256x512xf32>
      %add3A_184 = arith.addf %broadcast_in_dim3A_177, %convert_element_type3A_183 : vector<256x512xf32>
      %slice3A_185 = vector.extract_strided_slice %get3A_174 {offsets = [1, 0], sizes = [1, 512], strides = [1, 1]} : vector<8x512xi32> to vector<1x512xi32>
      %eq3A_186 = vector.broadcast %slice3A_185 : vector<1x512xi32> to vector<256x512xi32>
      %eq3A_187 = vector.broadcast %iota3A_175 : vector<256x1xi32> to vector<256x512xi32>
      %eq3A_188 = arith.cmpi eq, %eq3A_186, %eq3A_187 : vector<256x512xi32>
      %convert_element_type3A_189 = arith.extui %eq3A_188 : vector<256x512xi1> to vector<256x512xi32>
      %convert_element_type3A_190 = arith.sitofp %convert_element_type3A_189 : vector<256x512xi32> to vector<256x512xf32>
      %add3A_191 = arith.addf %add3A_184, %convert_element_type3A_190 : vector<256x512xf32>
      %slice3A_192 = vector.extract_strided_slice %get3A_174 {offsets = [2, 0], sizes = [1, 512], strides = [1, 1]} : vector<8x512xi32> to vector<1x512xi32>
      %eq3A_193 = vector.broadcast %slice3A_192 : vector<1x512xi32> to vector<256x512xi32>
      %eq3A_194 = vector.broadcast %iota3A_175 : vector<256x1xi32> to vector<256x512xi32>
      %eq3A_195 = arith.cmpi eq, %eq3A_193, %eq3A_194 : vector<256x512xi32>
      %convert_element_type3A_196 = arith.extui %eq3A_195 : vector<256x512xi1> to vector<256x512xi32>
      %convert_element_type3A_197 = arith.sitofp %convert_element_type3A_196 : vector<256x512xi32> to vector<256x512xf32>
      %add3A_198 = arith.addf %add3A_191, %convert_element_type3A_197 : vector<256x512xf32>
      %slice3A_199 = vector.extract_strided_slice %get3A_174 {offsets = [3, 0], sizes = [1, 512], strides = [1, 1]} : vector<8x512xi32> to vector<1x512xi32>
      %eq3A_200 = vector.broadcast %slice3A_199 : vector<1x512xi32> to vector<256x512xi32>
      %eq3A_201 = vector.broadcast %iota3A_175 : vector<256x1xi32> to vector<256x512xi32>
      %eq3A_202 = arith.cmpi eq, %eq3A_200, %eq3A_201 : vector<256x512xi32>
      %convert_element_type3A_203 = arith.extui %eq3A_202 : vector<256x512xi1> to vector<256x512xi32>
      %convert_element_type3A_204 = arith.sitofp %convert_element_type3A_203 : vector<256x512xi32> to vector<256x512xf32>
      %add3A_205 = arith.addf %add3A_198, %convert_element_type3A_204 : vector<256x512xf32>
      %slice3A_206 = vector.extract_strided_slice %get3A_174 {offsets = [4, 0], sizes = [1, 512], strides = [1, 1]} : vector<8x512xi32> to vector<1x512xi32>
      %eq3A_207 = vector.broadcast %slice3A_206 : vector<1x512xi32> to vector<256x512xi32>
      %eq3A_208 = vector.broadcast %iota3A_175 : vector<256x1xi32> to vector<256x512xi32>
      %eq3A_209 = arith.cmpi eq, %eq3A_207, %eq3A_208 : vector<256x512xi32>
      %convert_element_type3A_210 = arith.extui %eq3A_209 : vector<256x512xi1> to vector<256x512xi32>
      %convert_element_type3A_211 = arith.sitofp %convert_element_type3A_210 : vector<256x512xi32> to vector<256x512xf32>
      %add3A_212 = arith.addf %add3A_205, %convert_element_type3A_211 : vector<256x512xf32>
      %slice3A_213 = vector.extract_strided_slice %get3A_174 {offsets = [5, 0], sizes = [1, 512], strides = [1, 1]} : vector<8x512xi32> to vector<1x512xi32>
      %eq3A_214 = vector.broadcast %slice3A_213 : vector<1x512xi32> to vector<256x512xi32>
      %eq3A_215 = vector.broadcast %iota3A_175 : vector<256x1xi32> to vector<256x512xi32>
      %eq3A_216 = arith.cmpi eq, %eq3A_214, %eq3A_215 : vector<256x512xi32>
      %convert_element_type3A_217 = arith.extui %eq3A_216 : vector<256x512xi1> to vector<256x512xi32>
      %convert_element_type3A_218 = arith.sitofp %convert_element_type3A_217 : vector<256x512xi32> to vector<256x512xf32>
      %add3A_219 = arith.addf %add3A_212, %convert_element_type3A_218 : vector<256x512xf32>
      %slice3A_220 = vector.extract_strided_slice %get3A_174 {offsets = [6, 0], sizes = [1, 512], strides = [1, 1]} : vector<8x512xi32> to vector<1x512xi32>
      %eq3A_221 = vector.broadcast %slice3A_220 : vector<1x512xi32> to vector<256x512xi32>
      %eq3A_222 = vector.broadcast %iota3A_175 : vector<256x1xi32> to vector<256x512xi32>
      %eq3A_223 = arith.cmpi eq, %eq3A_221, %eq3A_222 : vector<256x512xi32>
      %convert_element_type3A_224 = arith.extui %eq3A_223 : vector<256x512xi1> to vector<256x512xi32>
      %convert_element_type3A_225 = arith.sitofp %convert_element_type3A_224 : vector<256x512xi32> to vector<256x512xf32>
      %add3A_226 = arith.addf %add3A_219, %convert_element_type3A_225 : vector<256x512xf32>
      %slice3A_227 = vector.extract_strided_slice %get3A_174 {offsets = [7, 0], sizes = [1, 512], strides = [1, 1]} : vector<8x512xi32> to vector<1x512xi32>
      %eq3A_228 = vector.broadcast %slice3A_227 : vector<1x512xi32> to vector<256x512xi32>
      %eq3A_229 = vector.broadcast %iota3A_175 : vector<256x1xi32> to vector<256x512xi32>
      %eq3A_230 = arith.cmpi eq, %eq3A_228, %eq3A_229 : vector<256x512xi32>
      %convert_element_type3A_231 = arith.extui %eq3A_230 : vector<256x512xi1> to vector<256x512xi32>
      %convert_element_type3A_232 = arith.sitofp %convert_element_type3A_231 : vector<256x512xi32> to vector<256x512xf32>
      %add3A_233 = arith.addf %add3A_226, %convert_element_type3A_232 : vector<256x512xf32>
      %convert_element_type3A_234 = arith.truncf %add3A_233 : vector<256x512xf32> to vector<256x512xbf16>
      %swap3A_235 = arith.constant 0 : index
      %swap3A_236 = arith.constant 512 : index
      %swap3A_237 = vector.load %arg10[%swap3A_235, %swap3A_236] : memref<256x2048xbf16, #tpu.memory_space<vmem>>, vector<256x512xbf16>
      tpu.vector_store %arg10[%swap3A_235, %swap3A_236], %convert_element_type3A_234 {strides = array<i32>} : memref<256x2048xbf16, #tpu.memory_space<vmem>>, vector<256x512xbf16>,
      %get3A_238 = arith.constant 0 : index
      %get3A_239 = arith.constant 0 : index
      %get3A_240 = arith.constant 1024 : index
      %get3A_241 = vector.load %arg6[%get3A_238, %get3A_239, %get3A_240] : memref<1x8x2048xi32, #tpu.memory_space<vmem>>, vector<1x8x512xi32>
      %get3A_242 = vector.shape_cast %get3A_241 : vector<1x8x512xi32> to vector<8x512xi32>
      %iota3A_243 = tpu.iota {dimensions = array<i32: 0>} : vector<256x1xi32>
      %broadcast_in_dim3A_244 = arith.constant 0.000000e+00 : f32
      %broadcast_in_dim3A_245 = vector.broadcast %broadcast_in_dim3A_244 : f32 to vector<256x512xf32>
      %slice3A_246 = vector.extract_strided_slice %get3A_242 {offsets = [0, 0], sizes = [1, 512], strides = [1, 1]} : vector<8x512xi32> to vector<1x512xi32>
      %eq3A_247 = vector.broadcast %slice3A_246 : vector<1x512xi32> to vector<256x512xi32>
      %eq3A_248 = vector.broadcast %iota3A_243 : vector<256x1xi32> to vector<256x512xi32>
      %eq3A_249 = arith.cmpi eq, %eq3A_247, %eq3A_248 : vector<256x512xi32>
      %convert_element_type3A_250 = arith.extui %eq3A_249 : vector<256x512xi1> to vector<256x512xi32>
      %convert_element_type3A_251 = arith.sitofp %convert_element_type3A_250 : vector<256x512xi32> to vector<256x512xf32>
      %add3A_252 = arith.addf %broadcast_in_dim3A_245, %convert_element_type3A_251 : vector<256x512xf32>
      %slice3A_253 = vector.extract_strided_slice %get3A_242 {offsets = [1, 0], sizes = [1, 512], strides = [1, 1]} : vector<8x512xi32> to vector<1x512xi32>
      %eq3A_254 = vector.broadcast %slice3A_253 : vector<1x512xi32> to vector<256x512xi32>
      %eq3A_255 = vector.broadcast %iota3A_243 : vector<256x1xi32> to vector<256x512xi32>
      %eq3A_256 = arith.cmpi eq, %eq3A_254, %eq3A_255 : vector<256x512xi32>
      %convert_element_type3A_257 = arith.extui %eq3A_256 : vector<256x512xi1> to vector<256x512xi32>
      %convert_element_type3A_258 = arith.sitofp %convert_element_type3A_257 : vector<256x512xi32> to vector<256x512xf32>
      %add3A_259 = arith.addf %add3A_252, %convert_element_type3A_258 : vector<256x512xf32>
      %slice3A_260 = vector.extract_strided_slice %get3A_242 {offsets = [2, 0], sizes = [1, 512], strides = [1, 1]} : vector<8x512xi32> to vector<1x512xi32>
      %eq3A_261 = vector.broadcast %slice3A_260 : vector<1x512xi32> to vector<256x512xi32>
      %eq3A_262 = vector.broadcast %iota3A_243 : vector<256x1xi32> to vector<256x512xi32>
      %eq3A_263 = arith.cmpi eq, %eq3A_261, %eq3A_262 : vector<256x512xi32>
      %convert_element_type3A_264 = arith.extui %eq3A_263 : vector<256x512xi1> to vector<256x512xi32>
      %convert_element_type3A_265 = arith.sitofp %convert_element_type3A_264 : vector<256x512xi32> to vector<256x512xf32>
      %add3A_266 = arith.addf %add3A_259, %convert_element_type3A_265 : vector<256x512xf32>
      %slice3A_267 = vector.extract_strided_slice %get3A_242 {offsets = [3, 0], sizes = [1, 512], strides = [1, 1]} : vector<8x512xi32> to vector<1x512xi32>
      %eq3A_268 = vector.broadcast %slice3A_267 : vector<1x512xi32> to vector<256x512xi32>
      %eq3A_269 = vector.broadcast %iota3A_243 : vector<256x1xi32> to vector<256x512xi32>
      %eq3A_270 = arith.cmpi eq, %eq3A_268, %eq3A_269 : vector<256x512xi32>
      %convert_element_type3A_271 = arith.extui %eq3A_270 : vector<256x512xi1> to vector<256x512xi32>
      %convert_element_type3A_272 = arith.sitofp %convert_element_type3A_271 : vector<256x512xi32> to vector<256x512xf32>
      %add3A_273 = arith.addf %add3A_266, %convert_element_type3A_272 : vector<256x512xf32>
      %slice3A_274 = vector.extract_strided_slice %get3A_242 {offsets = [4, 0], sizes = [1, 512], strides = [1, 1]} : vector<8x512xi32> to vector<1x512xi32>
      %eq3A_275 = vector.broadcast %slice3A_274 : vector<1x512xi32> to vector<256x512xi32>
      %eq3A_276 = vector.broadcast %iota3A_243 : vector<256x1xi32> to vector<256x512xi32>
      %eq3A_277 = arith.cmpi eq, %eq3A_275, %eq3A_276 : vector<256x512xi32>
      %convert_element_type3A_278 = arith.extui %eq3A_277 : vector<256x512xi1> to vector<256x512xi32>
      %convert_element_type3A_279 = arith.sitofp %convert_element_type3A_278 : vector<256x512xi32> to vector<256x512xf32>
      %add3A_280 = arith.addf %add3A_273, %convert_element_type3A_279 : vector<256x512xf32>
      %slice3A_281 = vector.extract_strided_slice %get3A_242 {offsets = [5, 0], sizes = [1, 512], strides = [1, 1]} : vector<8x512xi32> to vector<1x512xi32>
      %eq3A_282 = vector.broadcast %slice3A_281 : vector<1x512xi32> to vector<256x512xi32>
      %eq3A_283 = vector.broadcast %iota3A_243 : vector<256x1xi32> to vector<256x512xi32>
      %eq3A_284 = arith.cmpi eq, %eq3A_282, %eq3A_283 : vector<256x512xi32>
      %convert_element_type3A_285 = arith.extui %eq3A_284 : vector<256x512xi1> to vector<256x512xi32>
      %convert_element_type3A_286 = arith.sitofp %convert_element_type3A_285 : vector<256x512xi32> to vector<256x512xf32>
      %add3A_287 = arith.addf %add3A_280, %convert_element_type3A_286 : vector<256x512xf32>
      %slice3A_288 = vector.extract_strided_slice %get3A_242 {offsets = [6, 0], sizes = [1, 512], strides = [1, 1]} : vector<8x512xi32> to vector<1x512xi32>
      %eq3A_289 = vector.broadcast %slice3A_288 : vector<1x512xi32> to vector<256x512xi32>
      %eq3A_290 = vector.broadcast %iota3A_243 : vector<256x1xi32> to vector<256x512xi32>
      %eq3A_291 = arith.cmpi eq, %eq3A_289, %eq3A_290 : vector<256x512xi32>
      %convert_element_type3A_292 = arith.extui %eq3A_291 : vector<256x512xi1> to vector<256x512xi32>
      %convert_element_type3A_293 = arith.sitofp %convert_element_type3A_292 : vector<256x512xi32> to vector<256x512xf32>
      %add3A_294 = arith.addf %add3A_287, %convert_element_type3A_293 : vector<256x512xf32>
      %slice3A_295 = vector.extract_strided_slice %get3A_242 {offsets = [7, 0], sizes = [1, 512], strides = [1, 1]} : vector<8x512xi32> to vector<1x512xi32>
      %eq3A_296 = vector.broadcast %slice3A_295 : vector<1x512xi32> to vector<256x512xi32>
      %eq3A_297 = vector.broadcast %iota3A_243 : vector<256x1xi32> to vector<256x512xi32>
      %eq3A_298 = arith.cmpi eq, %eq3A_296, %eq3A_297 : vector<256x512xi32>
      %convert_element_type3A_299 = arith.extui %eq3A_298 : vector<256x512xi1> to vector<256x512xi32>
      %convert_element_type3A_300 = arith.sitofp %convert_element_type3A_299 : vector<256x512xi32> to vector<256x512xf32>
      %add3A_301 = arith.addf %add3A_294, %convert_element_type3A_300 : vector<256x512xf32>
      %convert_element_type3A_302 = arith.truncf %add3A_301 : vector<256x512xf32> to vector<256x512xbf16>
      %swap3A_303 = arith.constant 0 : index
      %swap3A_304 = arith.constant 1024 : index
      %swap3A_305 = vector.load %arg10[%swap3A_303, %swap3A_304] : memref<256x2048xbf16, #tpu.memory_space<vmem>>, vector<256x512xbf16>
      tpu.vector_store %arg10[%swap3A_303, %swap3A_304], %convert_element_type3A_302 {strides = array<i32>} : memref<256x2048xbf16, #tpu.memory_space<vmem>>, vector<256x512xbf16>,
      %get3A_306 = arith.constant 0 : index
      %get3A_307 = arith.constant 0 : index
      %get3A_308 = arith.constant 1536 : index
      %get3A_309 = vector.load %arg6[%get3A_306, %get3A_307, %get3A_308] : memref<1x8x2048xi32, #tpu.memory_space<vmem>>, vector<1x8x512xi32>
      %get3A_310 = vector.shape_cast %get3A_309 : vector<1x8x512xi32> to vector<8x512xi32>
      %iota3A_311 = tpu.iota {dimensions = array<i32: 0>} : vector<256x1xi32>
      %broadcast_in_dim3A_312 = arith.constant 0.000000e+00 : f32
      %broadcast_in_dim3A_313 = vector.broadcast %broadcast_in_dim3A_312 : f32 to vector<256x512xf32>
      %slice3A_314 = vector.extract_strided_slice %get3A_310 {offsets = [0, 0], sizes = [1, 512], strides = [1, 1]} : vector<8x512xi32> to vector<1x512xi32>
      %eq3A_315 = vector.broadcast %slice3A_314 : vector<1x512xi32> to vector<256x512xi32>
      %eq3A_316 = vector.broadcast %iota3A_311 : vector<256x1xi32> to vector<256x512xi32>
      %eq3A_317 = arith.cmpi eq, %eq3A_315, %eq3A_316 : vector<256x512xi32>
      %convert_element_type3A_318 = arith.extui %eq3A_317 : vector<256x512xi1> to vector<256x512xi32>
      %convert_element_type3A_319 = arith.sitofp %convert_element_type3A_318 : vector<256x512xi32> to vector<256x512xf32>
      %add3A_320 = arith.addf %broadcast_in_dim3A_313, %convert_element_type3A_319 : vector<256x512xf32>
      %slice3A_321 = vector.extract_strided_slice %get3A_310 {offsets = [1, 0], sizes = [1, 512], strides = [1, 1]} : vector<8x512xi32> to vector<1x512xi32>
      %eq3A_322 = vector.broadcast %slice3A_321 : vector<1x512xi32> to vector<256x512xi32>
      %eq3A_323 = vector.broadcast %iota3A_311 : vector<256x1xi32> to vector<256x512xi32>
      %eq3A_324 = arith.cmpi eq, %eq3A_322, %eq3A_323 : vector<256x512xi32>
      %convert_element_type3A_325 = arith.extui %eq3A_324 : vector<256x512xi1> to vector<256x512xi32>
      %convert_element_type3A_326 = arith.sitofp %convert_element_type3A_325 : vector<256x512xi32> to vector<256x512xf32>
      %add3A_327 = arith.addf %add3A_320, %convert_element_type3A_326 : vector<256x512xf32>
      %slice3A_328 = vector.extract_strided_slice %get3A_310 {offsets = [2, 0], sizes = [1, 512], strides = [1, 1]} : vector<8x512xi32> to vector<1x512xi32>
      %eq3A_329 = vector.broadcast %slice3A_328 : vector<1x512xi32> to vector<256x512xi32>
      %eq3A_330 = vector.broadcast %iota3A_311 : vector<256x1xi32> to vector<256x512xi32>
      %eq3A_331 = arith.cmpi eq, %eq3A_329, %eq3A_330 : vector<256x512xi32>
      %convert_element_type3A_332 = arith.extui %eq3A_331 : vector<256x512xi1> to vector<256x512xi32>
      %convert_element_type3A_333 = arith.sitofp %convert_element_type3A_332 : vector<256x512xi32> to vector<256x512xf32>
      %add3A_334 = arith.addf %add3A_327, %convert_element_type3A_333 : vector<256x512xf32>
      %slice3A_335 = vector.extract_strided_slice %get3A_310 {offsets = [3, 0], sizes = [1, 512], strides = [1, 1]} : vector<8x512xi32> to vector<1x512xi32>
      %eq3A_336 = vector.broadcast %slice3A_335 : vector<1x512xi32> to vector<256x512xi32>
      %eq3A_337 = vector.broadcast %iota3A_311 : vector<256x1xi32> to vector<256x512xi32>
      %eq3A_338 = arith.cmpi eq, %eq3A_336, %eq3A_337 : vector<256x512xi32>
      %convert_element_type3A_339 = arith.extui %eq3A_338 : vector<256x512xi1> to vector<256x512xi32>
      %convert_element_type3A_340 = arith.sitofp %convert_element_type3A_339 : vector<256x512xi32> to vector<256x512xf32>
      %add3A_341 = arith.addf %add3A_334, %convert_element_type3A_340 : vector<256x512xf32>
      %slice3A_342 = vector.extract_strided_slice %get3A_310 {offsets = [4, 0], sizes = [1, 512], strides = [1, 1]} : vector<8x512xi32> to vector<1x512xi32>
      %eq3A_343 = vector.broadcast %slice3A_342 : vector<1x512xi32> to vector<256x512xi32>
      %eq3A_344 = vector.broadcast %iota3A_311 : vector<256x1xi32> to vector<256x512xi32>
      %eq3A_345 = arith.cmpi eq, %eq3A_343, %eq3A_344 : vector<256x512xi32>
      %convert_element_type3A_346 = arith.extui %eq3A_345 : vector<256x512xi1> to vector<256x512xi32>
      %convert_element_type3A_347 = arith.sitofp %convert_element_type3A_346 : vector<256x512xi32> to vector<256x512xf32>
      %add3A_348 = arith.addf %add3A_341, %convert_element_type3A_347 : vector<256x512xf32>
      %slice3A_349 = vector.extract_strided_slice %get3A_310 {offsets = [5, 0], sizes = [1, 512], strides = [1, 1]} : vector<8x512xi32> to vector<1x512xi32>
      %eq3A_350 = vector.broadcast %slice3A_349 : vector<1x512xi32> to vector<256x512xi32>
      %eq3A_351 = vector.broadcast %iota3A_311 : vector<256x1xi32> to vector<256x512xi32>
      %eq3A_352 = arith.cmpi eq, %eq3A_350, %eq3A_351 : vector<256x512xi32>
      %convert_element_type3A_353 = arith.extui %eq3A_352 : vector<256x512xi1> to vector<256x512xi32>
      %convert_element_type3A_354 = arith.sitofp %convert_element_type3A_353 : vector<256x512xi32> to vector<256x512xf32>
      %add3A_355 = arith.addf %add3A_348, %convert_element_type3A_354 : vector<256x512xf32>
      %slice3A_356 = vector.extract_strided_slice %get3A_310 {offsets = [6, 0], sizes = [1, 512], strides = [1, 1]} : vector<8x512xi32> to vector<1x512xi32>
      %eq3A_357 = vector.broadcast %slice3A_356 : vector<1x512xi32> to vector<256x512xi32>
      %eq3A_358 = vector.broadcast %iota3A_311 : vector<256x1xi32> to vector<256x512xi32>
      %eq3A_359 = arith.cmpi eq, %eq3A_357, %eq3A_358 : vector<256x512xi32>
      %convert_element_type3A_360 = arith.extui %eq3A_359 : vector<256x512xi1> to vector<256x512xi32>
      %convert_element_type3A_361 = arith.sitofp %convert_element_type3A_360 : vector<256x512xi32> to vector<256x512xf32>
      %add3A_362 = arith.addf %add3A_355, %convert_element_type3A_361 : vector<256x512xf32>
      %slice3A_363 = vector.extract_strided_slice %get3A_310 {offsets = [7, 0], sizes = [1, 512], strides = [1, 1]} : vector<8x512xi32> to vector<1x512xi32>
      %eq3A_364 = vector.broadcast %slice3A_363 : vector<1x512xi32> to vector<256x512xi32>
      %eq3A_365 = vector.broadcast %iota3A_311 : vector<256x1xi32> to vector<256x512xi32>
      %eq3A_366 = arith.cmpi eq, %eq3A_364, %eq3A_365 : vector<256x512xi32>
      %convert_element_type3A_367 = arith.extui %eq3A_366 : vector<256x512xi1> to vector<256x512xi32>
      %convert_element_type3A_368 = arith.sitofp %convert_element_type3A_367 : vector<256x512xi32> to vector<256x512xf32>
      %add3A_369 = arith.addf %add3A_362, %convert_element_type3A_368 : vector<256x512xf32>
      %convert_element_type3A_370 = arith.truncf %add3A_369 : vector<256x512xf32> to vector<256x512xbf16>
      %swap3A_371 = arith.constant 0 : index
      %swap3A_372 = arith.constant 1536 : index
      %swap3A_373 = vector.load %arg10[%swap3A_371, %swap3A_372] : memref<256x2048xbf16, #tpu.memory_space<vmem>>, vector<256x512xbf16>
      tpu.vector_store %arg10[%swap3A_371, %swap3A_372], %convert_element_type3A_370 {strides = array<i32>} : memref<256x2048xbf16, #tpu.memory_space<vmem>>, vector<256x512xbf16>,
    } else {
    }
    %get3A = arith.constant 0 : index
    %get3A_2 = arith.constant 0 : index
    %get3A_3 = arith.constant 0 : index
    %get3A_4 = vector.load %arg5[%get3A, %get3A_2, %get3A_3] : memref<1x8x512xi32, #tpu.memory_space<vmem>>, vector<1x8x512xi32>
    %get3A_5 = vector.shape_cast %get3A_4 : vector<1x8x512xi32> to vector<8x512xi32>
    %iota3A = tpu.iota {dimensions = array<i32: 0>} : vector<256x1xi32>
    %broadcast_in_dim3A = arith.constant 0.000000e+00 : f32
    %broadcast_in_dim3A_6 = vector.broadcast %broadcast_in_dim3A : f32 to vector<256x512xf32>
    %slice3A = vector.extract_strided_slice %get3A_5 {offsets = [0, 0], sizes = [1, 512], strides = [1, 1]} : vector<8x512xi32> to vector<1x512xi32>
    %eq3A_7 = vector.broadcast %slice3A : vector<1x512xi32> to vector<256x512xi32>
    %eq3A_8 = vector.broadcast %iota3A : vector<256x1xi32> to vector<256x512xi32>
    %eq3A_9 = arith.cmpi eq, %eq3A_7, %eq3A_8 : vector<256x512xi32>
    %convert_element_type3A_10 = arith.extui %eq3A_9 : vector<256x512xi1> to vector<256x512xi32>
    %convert_element_type3A_11 = arith.sitofp %convert_element_type3A_10 : vector<256x512xi32> to vector<256x512xf32>
    %add3A = arith.addf %broadcast_in_dim3A_6, %convert_element_type3A_11 : vector<256x512xf32>
    %slice3A_12 = vector.extract_strided_slice %get3A_5 {offsets = [1, 0], sizes = [1, 512], strides = [1, 1]} : vector<8x512xi32> to vector<1x512xi32>
    %eq3A_13 = vector.broadcast %slice3A_12 : vector<1x512xi32> to vector<256x512xi32>
    %eq3A_14 = vector.broadcast %iota3A : vector<256x1xi32> to vector<256x512xi32>
    %eq3A_15 = arith.cmpi eq, %eq3A_13, %eq3A_14 : vector<256x512xi32>
    %convert_element_type3A_16 = arith.extui %eq3A_15 : vector<256x512xi1> to vector<256x512xi32>
    %convert_element_type3A_17 = arith.sitofp %convert_element_type3A_16 : vector<256x512xi32> to vector<256x512xf32>
    %add3A_18 = arith.addf %add3A, %convert_element_type3A_17 : vector<256x512xf32>
    %slice3A_19 = vector.extract_strided_slice %get3A_5 {offsets = [2, 0], sizes = [1, 512], strides = [1, 1]} : vector<8x512xi32> to vector<1x512xi32>
    %eq3A_20 = vector.broadcast %slice3A_19 : vector<1x512xi32> to vector<256x512xi32>
    %eq3A_21 = vector.broadcast %iota3A : vector<256x1xi32> to vector<256x512xi32>
    %eq3A_22 = arith.cmpi eq, %eq3A_20, %eq3A_21 : vector<256x512xi32>
    %convert_element_type3A_23 = arith.extui %eq3A_22 : vector<256x512xi1> to vector<256x512xi32>
    %convert_element_type3A_24 = arith.sitofp %convert_element_type3A_23 : vector<256x512xi32> to vector<256x512xf32>
    %add3A_25 = arith.addf %add3A_18, %convert_element_type3A_24 : vector<256x512xf32>
    %slice3A_26 = vector.extract_strided_slice %get3A_5 {offsets = [3, 0], sizes = [1, 512], strides = [1, 1]} : vector<8x512xi32> to vector<1x512xi32>
    %eq3A_27 = vector.broadcast %slice3A_26 : vector<1x512xi32> to vector<256x512xi32>
    %eq3A_28 = vector.broadcast %iota3A : vector<256x1xi32> to vector<256x512xi32>
    %eq3A_29 = arith.cmpi eq, %eq3A_27, %eq3A_28 : vector<256x512xi32>
    %convert_element_type3A_30 = arith.extui %eq3A_29 : vector<256x512xi1> to vector<256x512xi32>
    %convert_element_type3A_31 = arith.sitofp %convert_element_type3A_30 : vector<256x512xi32> to vector<256x512xf32>
    %add3A_32 = arith.addf %add3A_25, %convert_element_type3A_31 : vector<256x512xf32>
    %slice3A_33 = vector.extract_strided_slice %get3A_5 {offsets = [4, 0], sizes = [1, 512], strides = [1, 1]} : vector<8x512xi32> to vector<1x512xi32>
    %eq3A_34 = vector.broadcast %slice3A_33 : vector<1x512xi32> to vector<256x512xi32>
    %eq3A_35 = vector.broadcast %iota3A : vector<256x1xi32> to vector<256x512xi32>
    %eq3A_36 = arith.cmpi eq, %eq3A_34, %eq3A_35 : vector<256x512xi32>
    %convert_element_type3A_37 = arith.extui %eq3A_36 : vector<256x512xi1> to vector<256x512xi32>
    %convert_element_type3A_38 = arith.sitofp %convert_element_type3A_37 : vector<256x512xi32> to vector<256x512xf32>
    %add3A_39 = arith.addf %add3A_32, %convert_element_type3A_38 : vector<256x512xf32>
    %slice3A_40 = vector.extract_strided_slice %get3A_5 {offsets = [5, 0], sizes = [1, 512], strides = [1, 1]} : vector<8x512xi32> to vector<1x512xi32>
    %eq3A_41 = vector.broadcast %slice3A_40 : vector<1x512xi32> to vector<256x512xi32>
    %eq3A_42 = vector.broadcast %iota3A : vector<256x1xi32> to vector<256x512xi32>
    %eq3A_43 = arith.cmpi eq, %eq3A_41, %eq3A_42 : vector<256x512xi32>
    %convert_element_type3A_44 = arith.extui %eq3A_43 : vector<256x512xi1> to vector<256x512xi32>
    %convert_element_type3A_45 = arith.sitofp %convert_element_type3A_44 : vector<256x512xi32> to vector<256x512xf32>
    %add3A_46 = arith.addf %add3A_39, %convert_element_type3A_45 : vector<256x512xf32>
    %slice3A_47 = vector.extract_strided_slice %get3A_5 {offsets = [6, 0], sizes = [1, 512], strides = [1, 1]} : vector<8x512xi32> to vector<1x512xi32>
    %eq3A_48 = vector.broadcast %slice3A_47 : vector<1x512xi32> to vector<256x512xi32>
    %eq3A_49 = vector.broadcast %iota3A : vector<256x1xi32> to vector<256x512xi32>
    %eq3A_50 = arith.cmpi eq, %eq3A_48, %eq3A_49 : vector<256x512xi32>
    %convert_element_type3A_51 = arith.extui %eq3A_50 : vector<256x512xi1> to vector<256x512xi32>
    %convert_element_type3A_52 = arith.sitofp %convert_element_type3A_51 : vector<256x512xi32> to vector<256x512xf32>
    %add3A_53 = arith.addf %add3A_46, %convert_element_type3A_52 : vector<256x512xf32>
    %slice3A_54 = vector.extract_strided_slice %get3A_5 {offsets = [7, 0], sizes = [1, 512], strides = [1, 1]} : vector<8x512xi32> to vector<1x512xi32>
    %eq3A_55 = vector.broadcast %slice3A_54 : vector<1x512xi32> to vector<256x512xi32>
    %eq3A_56 = vector.broadcast %iota3A : vector<256x1xi32> to vector<256x512xi32>
    %eq3A_57 = arith.cmpi eq, %eq3A_55, %eq3A_56 : vector<256x512xi32>
    %convert_element_type3A_58 = arith.extui %eq3A_57 : vector<256x512xi1> to vector<256x512xi32>
    %convert_element_type3A_59 = arith.sitofp %convert_element_type3A_58 : vector<256x512xi32> to vector<256x512xf32>
    %add3A_60 = arith.addf %add3A_53, %convert_element_type3A_59 : vector<256x512xf32>
    %convert_element_type3A_61 = arith.truncf %add3A_60 : vector<256x512xf32> to vector<256x512xbf16>
    %get3A_62 = arith.constant 0 : index
    %get3A_63 = arith.constant 0 : index
    %get3A_64 = arith.constant 0 : index
    %get3A_65 = vector.load %arg2[%get3A_62, %get3A_63, %get3A_64] : memref<1x512x1024xbf16, #tpu.memory_space<vmem>>, vector<1x512x1024xbf16>
    %get3A_66 = vector.shape_cast %get3A_65 : vector<1x512x1024xbf16> to vector<512x1024xbf16>
    %get3A_67 = arith.constant 0 : index
    %get3A_68 = arith.constant 0 : index
    %get3A_69 = vector.load %arg10[%get3A_67, %get3A_68] : memref<256x2048xbf16, #tpu.memory_space<vmem>>, vector<256x2048xbf16>
    %dot_general3A = arith.constant dense<0.000000e+00> : vector<512x2048xf32>
    %dot_general3A_70 = tpu.matmul %convert_element_type3A_61, %get3A_69, %dot_general3A {dimension_numbers = #tpu.dot_dimension_numbers<[0], [0], [1], [1], [0, 1, 1, 1], [], []>, transpose_lhs_hint = false} : vector<256x512xbf16>, vector<256x2048xbf16>, vector<512x2048xf32> -> vector<512x2048xf32>
    %get3A_71 = arith.constant 0 : index
    %get3A_72 = arith.constant 0 : index
    %get3A_73 = arith.constant 0 : index
    %get3A_74 = vector.load %arg3[%get3A_71, %get3A_72, %get3A_73] : memref<1x2048x1024xbf16, #tpu.memory_space<vmem>>, vector<1x2048x1024xbf16>
    %get3A_75 = vector.shape_cast %get3A_74 : vector<1x2048x1024xbf16> to vector<2048x1024xbf16>
    %dot_general3A_76 = arith.constant dense<0.000000e+00> : vector<512x2048xf32>
    %dot_general3A_77 = tpu.matmul %get3A_66, %get3A_75, %dot_general3A_76 {dimension_numbers = #tpu.dot_dimension_numbers<[1], [1], [0], [0], [0, 0, 1, 0], [], []>, transpose_lhs_hint = false} : vector<512x1024xbf16>, vector<2048x1024xbf16>, vector<512x2048xf32> -> vector<512x2048xf32>
    %mul3A = arith.mulf %dot_general3A_70, %dot_general3A_77 : vector<512x2048xf32>
    %convert_element_type3A_78 = arith.truncf %mul3A : vector<512x2048xf32> to vector<512x2048xbf16>
    %get3A_79 = arith.constant 0 : index
    %get3A_80 = arith.constant 0 : index
    %get3A_81 = arith.constant 0 : index
    %get3A_82 = vector.load %arg4[%get3A_79, %get3A_80, %get3A_81] : memref<1x2048x1024xbf16, #tpu.memory_space<vmem>>, vector<1x2048x1024xbf16>
    %get3A_83 = vector.shape_cast %get3A_82 : vector<1x2048x1024xbf16> to vector<2048x1024xbf16>
    %dot_general3A_84 = arith.constant dense<0.000000e+00> : vector<512x1024xf32>
    %dot_general3A_85 = tpu.matmul %convert_element_type3A_78, %get3A_83, %dot_general3A_84 {dimension_numbers = #tpu.dot_dimension_numbers<[1], [0], [0], [1], [0, 0, 1, 1], [], []>, transpose_lhs_hint = false} : vector<512x2048xbf16>, vector<2048x1024xbf16>, vector<512x1024xf32> -> vector<512x1024xf32>
    %convert_element_type3A_86 = arith.truncf %dot_general3A_85 : vector<512x1024xf32> to vector<512x1024xbf16>
    %get3A_87 = arith.constant 0 : index
    %get3A_88 = arith.constant 0 : index
    %get3A_89 = vector.load %arg7[%get3A_87, %get3A_88] : memref<1024x1024xbf16, #tpu.memory_space<vmem>>, vector<1024x1024xbf16>
    %dot_general3A_90 = arith.constant dense<0.000000e+00> : vector<512x1024xf32>
    %dot_general3A_91 = tpu.matmul %convert_element_type3A_86, %get3A_89, %dot_general3A_90 {dimension_numbers = #tpu.dot_dimension_numbers<[1], [1], [0], [0], [0, 0, 1, 0], [], []>, transpose_lhs_hint = false} : vector<512x1024xbf16>, vector<1024x1024xbf16>, vector<512x1024xf32> -> vector<512x1024xf32>
    %get3A_92 = arith.constant 0 : index
    %get3A_93 = arith.constant 0 : index
    %get3A_94 = vector.load %arg8[%get3A_92, %get3A_93] : memref<1x1024xf32, #tpu.memory_space<vmem>>, vector<1x1024xf32>
    %add3A_95 = vector.broadcast %get3A_94 : vector<1x1024xf32> to vector<512x1024xf32>
    %add3A_96 = arith.addf %dot_general3A_91, %add3A_95 : vector<512x1024xf32>
    %swap3A = arith.constant 0 : index
    %swap3A_97 = arith.constant 0 : index
    %swap3A_98 = arith.constant 0 : index
    %swap3A_99 = vector.load %arg9[%swap3A, %swap3A_97, %swap3A_98] : memref<1x512x1024xf32, #tpu.memory_space<vmem>>, vector<1x512x1024xf32>
    %swap3A_100 = vector.shape_cast %swap3A_99 : vector<1x512x1024xf32> to vector<512x1024xf32>
    %swap3A_101 = vector.shape_cast %add3A_96 : vector<512x1024xf32> to vector<1x512x1024xf32>
    tpu.vector_store %arg9[%swap3A, %swap3A_97, %swap3A_98], %swap3A_101 {strides = array<i32>} : memref<1x512x1024xf32, #tpu.memory_space<vmem>>, vector<1x512x1024xf32>,
    return
  }
  func.func @transform_0(%arg0: i32, %arg1: i32) -> (i32, i32, i32) {
    %c0_i32 = arith.constant 0 : i32
    %c0_i32_0 = arith.constant 0 : i32
    return %arg0, %arg1, %c0_i32 : i32, i32, i32
  }
  func.func @transform_1(%arg0: i32, %arg1: i32) -> (i32, i32, i32) {
    %c0_i32 = arith.constant 0 : i32
    %c0_i32_0 = arith.constant 0 : i32
    %c0_i32_1 = arith.constant 0 : i32
    return %arg0, %c0_i32, %c0_i32_0 : i32, i32, i32
  }
  func.func @transform_2(%arg0: i32, %arg1: i32) -> (i32, i32, i32) {
    %c0_i32 = arith.constant 0 : i32
    %c0_i32_0 = arith.constant 0 : i32
    %c0_i32_1 = arith.constant 0 : i32
    return %arg0, %c0_i32, %c0_i32_0 : i32, i32, i32
  }
  func.func @transform_3(%arg0: i32, %arg1: i32) -> (i32, i32, i32) {
    %c0_i32 = arith.constant 0 : i32
    %c0_i32_0 = arith.constant 0 : i32
    return %arg0, %c0_i32, %arg1 : i32, i32, i32
  }
  func.func @transform_4(%arg0: i32, %arg1: i32) -> (i32, i32, i32) {
    %c0_i32 = arith.constant 0 : i32
    %c0_i32_0 = arith.constant 0 : i32
    %c0_i32_1 = arith.constant 0 : i32
    return %arg0, %c0_i32, %c0_i32_0 : i32, i32, i32
  }
  func.func @transform_5(%arg0: i32, %arg1: i32) -> (i32, i32) {
    %c0_i32 = arith.constant 0 : i32
    %c0_i32_0 = arith.constant 0 : i32
    %c0_i32_1 = arith.constant 0 : i32
    return %c0_i32, %c0_i32_0 : i32, i32
  }
  func.func @transform_6(%arg0: i32, %arg1: i32) -> (i32, i32) {
    %c0_i32 = arith.constant 0 : i32
    %c0_i32_0 = arith.constant 0 : i32
    %c0_i32_1 = arith.constant 0 : i32
    return %c0_i32, %c0_i32_0 : i32, i32
  }
  func.func @transform_7(%arg0: i32, %arg1: i32) -> (i32, i32, i32) {
    %c0_i32 = arith.constant 0 : i32
    %c0_i32_0 = arith.constant 0 : i32
    return %arg0, %arg1, %c0_i32 : i32, i32, i32
  }
}

</mosaic_0001>

<sc_bundles>
// kernel: kernel.5.cloned.1.call-start
scs
__scs_entry_jumppad:
0x0: {  	(pc) =	sbr.rel $0x88, $3  }
0x1: {  	(tag) =	ssettag $0x0;
	lr =	simm.s32 $0x1  }
0x2: {  	[smem:$0x3F9A] =	sst lr;
	_ =	strace $0xD0000000  }
0x3: {  	_ = 	snop  }
0x4: {  	_ = 	snop  }
0x5: {  	_ = 	snop  }
0x6: {  	_ = 	snop  }
0x7: {  	_ = 	snop  }
__scs_overlays_trampoline_lowered:
0x8: {  	[smem:$0x3FA9] =	sst s0  }
0x9: {  	[smem:$0x3FAA] =	sst s1  }
0xa: {  	[smem:$0x3FAB] =	sst s2  }
0xb: {  	[smem:$0x3FAC] =	sst s3  }
0xc: {  	[smem:$0x3FAD] =	sst s4  }
0xd: {  	[smem:$0x3FAE] =	sst s5  }
0xe: {  	[smem:$0x3FAF] =	sst s6  }
0xf: {  	[smem:$0x3FB0] =	sst s7  }
0x10: {  	[smem:$0x3FB1] =	sst s8  }
0x11: {  	[smem:$0x3FB2] =	sst s9;
	s0 =	simm.s32 @!p0 $0x0  }
0x12: {  	s1 =	sld [smem:$0x3F98];
	s0 =	simm.s32 @p0 $0x1  }
0x13: {  	[smem:$0x3FB3] =	sst s0;
	s0 =	simm.s32 @!p1 $0x0  }
0x14: {  	s2 =	sld [smem:$0x3F97];
	s0 =	simm.s32 @p1 $0x1  }
0x15: {  	[smem:$0x3FB4] =	sst s0;
	s0 =	simm.s32 @!p2 $0x0  }
0x16: {  	s3 =	sld [smem:$0x3FDB];
	s0 =	simm.s32 @p2 $0x1  }
0x17: {  	s4 =	simm.s32 $0x1BF5;
	[smem:$0x3FB6] =	sst s0  }
0x18: {  	s0 =	sld [smem:$0x3F99];
	_ =	swait.ge [sflag:s4], $0x0  }
0x19: {  	s7 =	sld [smem:$0x3F9A]  }
0x1a: {  	s8 =	sadd.s32 $0xFFFFE003, lr  }
0x1b: {  	s9 =	sadd.s32 $0xFFFFFEF7, lr;
	s5 =	simm.s32 $0xFFFFFFFF;
	p2 =	slt.u32 s8, $0xFFFFF086  }
0x1c: {  	p1 =	slt.u32 s9, $0xF7A;
	s5 =	simm.s32 @!p2 $0x0  }
0x1d: {  	s5 =	simm.s32 @p1 $0x1;
	p0 =	seq.s32 s7, s2  }
0x1e: {  	s7 =	smul.u32 @!p0 $0xF7A, s2;
	p2 =	seq.s32 @!p0 s5, $0x0  }
0x1f: {  	s9 =	smul.u32 $0xF7A, s1;
	s8 =	simm.s32 @!p0 $0x1BF5;
	p2 =	por !p2, p0  }
0x20: {  	[sflag:s8] =	ssyncset.s32 @!p0 $0xFFFFF086;
	s6 =	sadd.s32 @!p0 s3, s7;
	s7 =	simm.s32 @!p0 $0x108  }
0x21: {  	s3 =	sadd.s32 s3, s9;
	s6 =	sadd.s32 @!p0 $0x88, s6;
	s7 =	simm.s32 @p2 $0x1082  }
0x22: {  	[simem:s7], [sflag:s8] =	dma.local @!p0 [hbm:s6], $0xF7A  }
0x23: {  	s9 =	sor.u32 $0xD0000000, s2;
	s6 =	simm.s32 $0x108;
	_ =	swait.ge @!p0 [sflag:s8], $0x0  }
0x24: {  	s3 =	sadd.s32 $0x88, s3;
	s6 =	simm.s32 @!p1 $0x1082;
	[sflag:s4] =	ssyncset.s32 $0xFFFFF086  }
0x25: {  	[simem:s6], [sflag:s4] =	dma.local [hbm:s3], $0xF7A  }
0x26: {  	[smem:$0x3F9A] =	sst s1;
	(tag) =	ssettag s2;
	_ =	strace s9  }
0x27: {  	s1 =	sld [smem:$0x3FAA]  }
0x28: {  	s2 =	sld [smem:$0x3FAB]  }
0x29: {  	s4 =	sld [smem:$0x3FAD]  }
0x2a: {  	p0 =	seq.s32 s5, $0x0;
	s5 =	sld [smem:$0x3FAE]  }
0x2b: {  	s6 =	sld [smem:$0x3FAF]  }
0x2c: {  	s7 =	sld [smem:$0x3FB0]  }
0x2d: {  	s3 =	simm.s32 $0x108;
	s8 =	sld [smem:$0x3FB1]  }
0x2e: {  	s3 =	simm.s32 @!p0 $0x1082;
	s9 =	sld [smem:$0x3FB2]  }
0x2f: {  	lr =	sadd.s32 s0, s3;
	s0 =	sld [smem:$0x3FA9]  }
0x30: {  	s3 =	sld [smem:$0x3FAC]  }
0x31: {  	[smem:$0x3FB5] =	sst s10  }
0x32: {  	s10 =	sld [smem:$0x3FB3];
	_ =	sdelay $0x3  }
0x33: {  	p0 =	seq.s32 s10, $0x1;
	s10 =	sld [smem:$0x3FB5];
	_ =	sdelay $0x3  }
0x34: {  	[smem:$0x3FB5] =	sst s10  }
0x35: {  	s10 =	sld [smem:$0x3FB4];
	_ =	sdelay $0x3  }
0x36: {  	p1 =	seq.s32 s10, $0x1;
	s10 =	sld [smem:$0x3FB5];
	_ =	sdelay $0x3  }
0x37: {  	[smem:$0x3FB5] =	sst s10  }
0x38: {  	s10 =	sld [smem:$0x3FB6]  }
0x39: {  	_ = 	snop;
	(pc) =	sbr.ind lr, $3  }
0x3a: {  	_ = 	snop  }
0x3b: {  	_ = 	snop  }
0x3c: {  	p2 =	seq.s32 s10, $0x1;
	s10 =	sld [smem:$0x3FB5]  }
0x3d: {  	_ =	shalt  }
0x3e: {  	_ =	shalt  }
0x3f: {  	_ =	shalt  }
0x40: {  	_ =	shalt  }
0x41: {  	_ =	shalt  }
0x42: {  	_ =	shalt  }
0x43: {  	_ =	shalt  }
0x44: {  	_ =	shalt  }
0x45: {  	_ =	shalt  }
0x46: {  	_ =	shalt  }
0x47: {  	_ =	shalt  }
0x48: {  	_ =	shalt  }
0x49: {  	_ =	shalt  }
0x4a: {  	_ =	shalt  }
0x4b: {  	_ =	shalt  }
0x4c: {  	_ =	shalt  }
0x4d: {  	_ =	shalt  }
0x4e: {  	_ =	shalt  }
0x4f: {  	_ =	shalt  }
0x50: {  	_ =	shalt  }
0x51: {  	_ =	shalt  }
0x52: {  	_ =	shalt  }
0x53: {  	_ =	shalt  }
0x54: {  	_ =	shalt  }
0x55: {  	_ =	shalt  }
0x56: {  	_ =	shalt  }
0x57: {  	_ =	shalt  }
0x58: {  	_ =	shalt  }
0x59: {  	_ =	shalt  }
0x5a: {  	_ =	shalt  }
0x5b: {  	_ =	shalt  }
0x5c: {  	_ =	shalt  }
0x5d: {  	_ =	shalt  }
0x5e: {  	_ =	shalt  }
0x5f: {  	_ =	shalt  }
0x60: {  	_ =	shalt  }
0x61: {  	_ =	shalt  }
0x62: {  	_ =	shalt  }
0x63: {  	_ =	shalt  }
0x64: {  	_ =	shalt  }
0x65: {  	_ =	shalt  }
0x66: {  	_ =	shalt  }
0x67: {  	_ =	shalt  }
0x68: {  	_ =	shalt  }
0x69: {  	_ =	shalt  }
0x6a: {  	_ =	shalt  }
0x6b: {  	_ =	shalt  }
0x6c: {  	_ =	shalt  }
0x6d: {  	_ =	shalt  }
0x6e: {  	_ =	shalt  }
0x6f: {  	_ =	shalt  }
0x70: {  	_ =	shalt  }
0x71: {  	_ =	shalt  }
0x72: {  	_ =	shalt  }
0x73: {  	_ =	shalt  }
0x74: {  	_ =	shalt  }
0x75: {  	_ =	shalt  }
0x76: {  	_ =	shalt  }
0x77: {  	_ =	shalt  }
0x78: {  	_ =	shalt  }
0x79: {  	_ =	shalt  }
0x7a: {  	_ =	shalt  }
0x7b: {  	_ =	shalt  }
0x7c: {  	_ =	shalt  }
0x7d: {  	_ =	shalt  }
0x7e: {  	_ =	shalt  }
0x7f: {  	_ =	shalt  }
0x80: {  	_ =	shalt  }
0x81: {  	_ =	shalt  }
0x82: {  	_ =	shalt  }
0x83: {  	_ =	shalt  }
0x84: {  	_ =	shalt  }
0x85: {  	_ =	shalt  }
0x86: {  	_ =	shalt  }
0x87: {  	_ =	shalt  }
.Lfunc_end0:
.L_simem_size_0:
called_computation_lowered:
.L_overlay_start_0:
0x88: {  	s2 =	sld [smem:$0x3FD9]  }
0x89: {  	s3 =	sld [smem:$0x3FFE];
	_ =	sdelay $0x1  }
0x8a: {  	s1 =	srdreg.scid  }
0x8b: {  	s0 =	sand.u32 $0x1, s1  }
0x8c: {  	s17 =	sshll.u32 s0, $0xA;
	s2 =	sadd.s32 s3, s2  }
0x8d: {  	s2 =	sadd.s32 s2, s17  }
0x8e: {  	[smem:$0x3FC1] =	sst s2  }
0x8f: {  	_ = 	snop  }
0x90: {  	s2 =	sld [smem:$0x3FD0];
	(tm) =	ssettm $0x1  }
0x91: {  	s18 =	sld [smem:$0x3FFB];
	_ =	sdelay $0x3  }
0x92: {  	_ =	strace s18  }
0x93: {  	s3 =	sld [smem:$0x3FFC];
	_ =	sdelay $0x3  }
0x94: {  	_ =	strace s3  }
0x95: {  	s3 =	sld [smem:$0x3FFD];
	_ =	sdelay $0x3  }
0x96: {  	_ =	strace s3  }
0x97: {  	_ =	strace $0x8FFFFFFF  }
0x98: {  	s19 =	sld [smem:$0x3FDB];
	_ =	sdelay $0x1  }
0x99: {  	s4 =	simm.s32 $_scs_section_size  }
0x9a: {  	s5 =	simm.s32 $_size__tile_overlayer_lowered;
	s6 =	simm.s32 $_tile_overlayer_lowered  }
0x9b: {  	s22 =	simm.s32 $0x1BFF;
	s21 =	sshll.u32 s6, $0x1;
	s3 =	sadd.s32 s4, s19  }
0x9c: {  	s7 =	simm.s32 $0x0;
	s20 =	sshll.u32 s5, $0x1;
	s5 =	sadd.s32 s21, s3  }
0x9d: {  	[timem:s7], [sflag:s22] =	dma.local [hbm:s5], s20  }
0x9e: {  	_ =	swait.ge [sflag:s22], s20  }
0x9f: {  	s4 =	ssub.s32 $0x0, s20;
	[sflag:s22] =	ssyncset.done $0x0  }
0xa0: {  	[sflag:s22] =	ssyncadd.s32 s4;
	_ =	sdelay $0x1  }
0xa1: {  	s23 =	simm.s32 $0x1B8B  }
0xa2: {  	_ =	swait.ge [sflag:s23], $0x1  }
0xa3: {  	[sflag:s23] =	ssyncset.done $0x0  }
0xa4: {  	s25 =	simm.s32 $0x1B8E;
	s24 =	sld [smem:$0x3FFE];
	[sflag:s23] =	ssyncadd.s32 $0xFFFFFFFF  }
0xa5: {  	s26 =	simm.s32 $execute0_lowered;
	[smem:$0x3FD2] =	sst s25  }
0xa6: {  	s5 =	sshll.u32 s26, $0x1;
	_ =	strace $0x80000046;
	[dreg:$0x1] =	wrdreg $0xFFFFFFFF  }
0xa7: {  	s28 =	simm.s32 $_size_execute0_lowered;
	s3 =	sadd.s32 s3, s5;
	[dreg:$0x0] =	wrdreg $0x0  }
0xa8: {  	s5 =	sshll.u32 s28, $0x1;
	[dreg:$0x2] =	wrdreg s3  }
0xa9: {  	[dreg:$0x3] =	wrdreg s5  }
0xaa: {  	[dreg:$0x4] =	wrdreg $0xC0  }
0xab: {  	_ =	task [dreg:s7], $0x5FFFF  }
0xac: {  	[dreg:$0x1] =	wrdreg $0xFFFFFFFF  }
0xad: {  	[dreg:$0x0] =	wrdreg $0x60  }
0xae: {  	[dreg:$0x2] =	wrdreg s2  }
0xaf: {  	[dreg:$0x3] =	wrdreg s24  }
0xb0: {  	[dreg:$0x4] =	wrdreg $0x9  }
0xb1: {  	_ =	task.clear_ibuf [dreg:s7], $0x5FFFF;
	_ =	strace $0x90000046  }
0xb2: {  	s29 =	simm.s32 $0x9;
	_ =	strace $0x80000048  }
0xb3: {  	_ =	swait.ge [sflag:s29], $0x1  }
0xb4: {  	[sflag:s29] =	ssyncadd.s32 $0xFFFFFFFF  }
0xb5: {  	_ =	strace $0x90000048  }
0xb6: {  	_ =	sfence  }
0xb7: {  	s30 =	sld [smem:$0x0];
	_ =	sdelay $0x2  }
0xb8: {  	s31 =	sshll.u32 s1, $0xD;
	s1 =	sshrl.u32 s1, $0x2  }
0xb9: {  	s3 =	sand.u32 $0x4000, s31;
	s1 =	sadd.s32 s1, s30  }
0xba: {  	s0 =	sor.u32 s3, s0;
	s1 =	sshll.u32 s1, $0x11  }
0xbb: {  	s0 =	sor.u32 s1, s0  }
0xbc: {  	s0 =	sadd.s32 $0x8F2B, s0  }
0xbd: {  	[sflag:s0] =	ssyncadd.remote.s32 $0x1  }
0xbe: {  	_ =	sfence.sel $0xFFFF  }
0xbf: {  	[dreg:$0x0] =	wrdreg $0xFFFFFFFF;
	(pc) =	sbr.abs _section_cstart, $3  }
0xc0: {  	[dreg:$0x1] =	wrdreg $0xFFFFFFFF  }
0xc1: {  	_ =	task.clear_ibuf [dreg:s7], $0x2FFFF;
	_ =	strace $0x9FFFFFFF  }
0xc2: {  	(tm) =	ssettm $0x7FFFFFFF  }
0xc3: {  	_ =	shalt  }
tec
execute0_lowered:
.L_overlay_start_1:
0x0: {  	(tag) =	ssettag $0x1  }
0x1: {  	s1 =	stileid.u32  }
0x2: {  	p0 =	sgt.u32 s1, $0x7  }
.Ltmp0:
0x3: {  	_ = 	snop;
	(pc) =	sbr.rel @p0 .LBB2_7-.Ltmp0, $4  }
0x4: {  	s4 =	rddreg [dreg:$0x0]  }
0x5: {  	s3 =	rddreg [dreg:$0x1];
	s2 =	simm.s32 $0x0  }
0x6: {  	[smem:$0x7FF] =	sst s2  }
0x7: {  	s0 =	rddreg [dreg:$0x2];
	_ =	strace $0x80000047  }
0x8: {  	s5 =	srdreg.scid;
	s6 =	sshll.u32 s1, $0x1;
	s7 =	sshll.u32 s1, $0x9;
	v1 =	vimm.s32 $0x0;
	v2 =	vlaneseq.u32  }
0x9: {  	vm0 =	vmmov $0x3;
	v3 =	vimm.s32 $0x0;
	vm3 =	vmmov $0xf;
	s9 =	simm.s32 $0x1800;
	s10 =	simm.s32 $0x1880;
	s11 =	simm.s32 $0x1000  }
0xa: {  	vm2 =	vmmov $0x1f;
	vm6 =	vmmov $0x3f;
	s12 =	simm.s32 $0x0;
	s5 =	sand.u32 $0x1, s5;
	s6 =	sand.u32 $0x6, s6;
	v3 =	vsel vm0, $0xFFFFFFFF, v3  }
0xb: {  	vm7 =	vmmov $0x7f;
	vm4 =	vmmov $0x3ff;
	s7 =	sand.u32 $0x800, s7;
	s6 =	sor.u32 s5, s6;
	s5 =	ssub.s32 $0x2, s5;
	[tilespmem:$0x1FFD0] =	vst v3;
	v3 =	vimm.s32 $0x0  }
0xc: {  	vm8 =	vmmov $0xff;
	vm1 =	vmmov $0x1ff;
	s8 =	sshll.u32 s6, $0x4;
	s6 =	sshll.u32 s6, $0x5;
	s31 =	sshrl.u32 s5, $0x1;
	v3 =	vsel vm4, $0xFFFFFFFF, v3  }
0xd: {  	vm0 =	vmmov $0x7;
	s7 =	sor.u32 s7, s8;
	v0 =	vmov s6;
	s5 =	ssub.s32 s5, s31;
	s6 =	simm.s32 $0x80;
	[tilespmem:$0x1FFE0] =	vst v3;
	v3 =	vimm.s32 $0x0  }
0xe: {  	vm13 =	vmmov $0x7ff;
	vm10 =	vmmov $0xfff;
	s8 =	simm.s32 $0x1;
	s3 =	sadd.s32 s7, s3;
	s4 =	sadd.s32 s4, s7;
	v3 =	vsel vm0, $0xFFFFFFFF, v3  }
0xf: {  	vm12 =	vmmov $0x3fff;
	vm9 =	vmmov $0x7fff;
	vm4 =	vmmov $0x1fff;
	s5 =	smax.u32 s5, $0x1;
	s7 =	simm.s32 $0x400;
	s3 =	sadd.s32 $0x41600, s3;
	[tilespmem:$0x1FFF0] =	vst v3  }
.LBB2_2:
0x10: {  	s13 =	simm.s32 $0x0  }
0x11: {  	s14 =	simm.s32 $0x0;
	s15 =	simm.s32 $0x1;
	s17 =	simm.s32 $0x5;
	vm5 =	veq.s32 v2, $0x0  }
0x12: {  	s19 =	simm.s32 $0x4;
	s21 =	simm.s32 $0x6;
	s22 =	simm.s32 $0x7;
	v3 =	vmov s14;
	v4 =	vmov s15;
	v5 =	vmov s17  }
0x13: {  	s23 =	simm.s32 $0x8;
	s24 =	simm.s32 $0xA;
	s25 =	simm.s32 $0xC;
	v7 =	vmov s19;
	v9 =	vmov s21;
	v11 =	vmov s22  }
0x14: {  	[tilespmem:s13], [sflag:$0x1] =	stream.strided.gather [hbm4b:s4+s6], $0x800, s7, s6, $0x38;
	v12 =	vmov s23;
	v13 =	vmov s24;
	v3 =	vand.u32 $0xFFFFFFF0, v3;
	[tilespmem:$0x1900] =	vst v63  }
0x15: {  	s18 =	simm.s32 $0x3;
	v14 =	vmov s25;
	_ =	swait.ge [sflag:s8], $0x800;
	v4 =	vand.u32 $0xFFFFFFF1, v4;
	v6 =	vbroadcast v3, $0x0  }
0x16: {  	s26 =	simm.s32 $0x9;
	[sflag:s8] =	ssyncset.done $0x0;
	v4 =	vbroadcast v4, $0x0;
	v3 =	vand.u32 $0xFFFFFFF5, v5;
	v5 =	vmov s18  }
0x17: {  	s20 =	simm.s32 $0x2;
	v15 =	vmov s26;
	[sflag:s8] =	ssyncadd.s32 $0xFFFFF800;
	v5 =	vand.u32 $0xFFFFFFF3, v5;
	v8 =	vbroadcast v3, $0x0  }
0x18: {  	s28 =	simm.s32 $0xB;
	v7 =	vand.u32 $0xFFFFFFF4, v7;
	v57 =	vld [tilespmem:$0x1FFD0];
	v3 =	vmov s20;
	[tilespmem:$0x1800] =	vst v1;
	v5 =	vbroadcast v5, $0x0  }
0x19: {  	s29 =	simm.s32 $0xD;
	v16 =	vmov s28;
	v7 =	vbroadcast v7, $0x0;
	v62 =	vld [tilespmem:$0x1FFE0];
	[tilespmem:$0x1810] =	vst v1;
	v3 =	vand.u32 $0xFFFFFFF2, v3  }
0x1a: {  	s30 =	simm.s32 $0xE;
	v17 =	vmov s29;
	v9 =	vand.u32 $0xFFFFFFF6, v9;
	v10 =	vbroadcast v3, $0x0;
	v3 =	vld [tilespmem:s13+$0x0]  }
0x1b: {  	s31 =	simm.s32 $0xF;
	v18 =	vmov s30;
	v11 =	vand.u32 $0xFFFFFFF7, v11;
	v9 =	vbroadcast v9, $0x0;
	v6 =	vld.idx.msk [tilespmem:v6+s2+$0x0], $0xffff  }
0x1c: {  	v45 =	vmov s31;
	v13 =	vand.u32 $0xFFFFFFFA, v13;
	v11 =	vbroadcast v11, $0x0;
	v4 =	vld.idx.msk [tilespmem:v4+s2+$0x0], $0xffff  }
0x1d: {  	v12 =	vand.u32 $0xFFFFFFF8, v12;
	v14 =	vand.u32 $0xFFFFFFFC, v14;
	v13 =	vbroadcast v13, $0x0;
	v8 =	vld.idx.msk [tilespmem:v8+s2+$0x0], $0xffff  }
0x1e: {  	v15 =	vand.u32 $0xFFFFFFF9, v15;
	v16 =	vand.u32 $0xFFFFFFFB, v16;
	v17 =	vand.u32 $0xFFFFFFFD, v17;
	v5 =	vld.idx.msk [tilespmem:v5+s2+$0x0], $0xffff  }
0x1f: {  	v18 =	vand.u32 $0xFFFFFFFE, v18;
	v12 =	vbroadcast v12, $0x0;
	v14 =	vbroadcast v14, $0x0;
	v7 =	vld.idx.msk [tilespmem:v7+s2+$0x0], $0xffff  }
0x20: {  	v15 =	vbroadcast v15, $0x0;
	v16 =	vbroadcast v16, $0x0;
	v10 =	vld.idx.msk [tilespmem:v10+s2+$0x0], $0xffff;
	vm14 =	veq.s32 v3, v6  }
0x21: {  	v17 =	vbroadcast v17, $0x0;
	v9 =	vld.idx.msk [tilespmem:v9+s2+$0x0], $0xffff;
	v19 =	vsel vm14, $0x1, v1;
	vm14 =	veq.s32 v3, v4  }
0x22: {  	v18 =	vbroadcast v18, $0x0;
	v11 =	vld.idx.msk [tilespmem:v11+s2+$0x0], $0xffff;
	vm15 =	veq.s32 v3, v8;
	v8 =	vsel vm14, $0x1, v1  }
0x23: {  	v6 =	vld.idx.msk [tilespmem:v13+s2+$0x0], $0xffff;
	vm14 =	veq.s32 v3, v5;
	v49 =	vsel vm15, $0x1, v1;
	v56 =	vsel vm5, $0x0, v19  }
0x24: {  	v13 =	vld.idx.msk [tilespmem:v45+s2+$0x0], $0xffff;
	vm5 =	vnez.u8 v57;
	v46 =	vadd.s32 v19, v8;
	v47 =	vsel vm14, $0x1, v1  }
0x25: {  	v4 =	vld.idx.msk [tilespmem:v14+s2+$0x0], $0xffff;
	vm14 =	veq.s32 v3, v7;
	vm15 =	veq.s32 v3, v10;
	v8 =	vsel vm5, $0x0, v8  }
0x26: {  	v16 =	vld.idx.msk [tilespmem:v16+s2+$0x0], $0xffff;
	v59 =	vsel vm6, $0x0, v49;
	vm5 =	vnez.u8 v62;
	v7 =	vsel vm14, $0x1, v1  }
0x27: {  	v5 =	vld.idx.msk [tilespmem:v15+s2+$0x0], $0xffff;
	vm14 =	veq.s32 v3, v9;
	v52 =	vsel vm15, $0x1, v1;
	v8 =	vadd.s32 v56, v8  }
0x28: {  	v15 =	vsel vm3, $0x0, v47;
	v50 =	vsel vm14, $0x1, v1;
	vm14 =	veq.s32 v3, v11  }
0x29: {  	v12 =	vld.idx.msk [tilespmem:v12+s2+$0x0], $0xffff;
	vm15 =	veq.s32 v3, v6;
	vm11 =	veq.s32 v3, v13;
	v14 =	vadd.s32 v52, v46  }
0x2a: {  	v51 =	vld.idx.msk [tilespmem:v18+s2+$0x0], $0xffff;
	v58 =	vsel vm0, $0x0, v52;
	v20 =	vsel vm14, $0x1, v1;
	vm14 =	veq.s32 v3, v4  }
0x2b: {  	v14 =	vadd.s32 v47, v14;
	v8 =	vadd.s32 v58, v8;
	v6 =	vsel vm14, $0x1, v1  }
0x2c: {  	v48 =	vld.idx.msk [tilespmem:v17+s2+$0x0], $0xffff;
	vm14 =	veq.s32 v3, v5;
	v5 =	vsel vm15, $0x1, v1;
	vm15 =	veq.s32 v3, v16  }
0x2d: {  	v14 =	vadd.s32 v7, v14;
	v7 =	vsel vm2, $0x0, v7;
	v8 =	vadd.s32 v15, v8  }
0x2e: {  	v61 =	vsel vm8, $0x0, v20;
	v4 =	vsel vm14, $0x1, v1;
	vm14 =	veq.s32 v3, v12  }
0x2f: {  	v53 =	vsel vm15, $0x1, v1;
	vm15 =	veq.s32 v3, v51;
	v14 =	vadd.s32 v49, v14  }
0x30: {  	v7 =	vadd.s32 v7, v8;
	v8 =	vsel vm7, $0x0, v50;
	v12 =	vsel vm14, $0x1, v1  }
0x31: {  	vm14 =	veq.s32 v3, v48;
	v55 =	vsel vm15, $0x1, v1;
	v14 =	vadd.s32 v50, v14  }
0x32: {  	v7 =	vadd.s32 v59, v7;
	v9 =	vsel vm10, $0x0, v53;
	v14 =	vadd.s32 v20, v14  }
0x33: {  	v54 =	vsel vm14, $0x1, v1;
	v7 =	vadd.s32 v8, v7;
	v60 =	vadd.s32 v12, v14  }
0x34: {  	v8 =	vsel vm1, $0x0, v12;
	v7 =	vadd.s32 v61, v7;
	v10 =	vadd.s32 v4, v60  }
0x35: {  	v4 =	vsel vm5, $0x0, v4;
	v7 =	vadd.s32 v8, v7;
	v10 =	vadd.s32 v5, v10  }
0x36: {  	v5 =	vsel vm13, $0x0, v5;
	v7 =	vadd.s32 v4, v7;
	v10 =	vadd.s32 v53, v10  }
0x37: {  	v63 =	vsel vm12, $0x0, v54;
	v4 =	vld.idx.msk [tilespmem:v3+s9+$0x0], $0xffff;
	v5 =	vadd.s32 v5, v7;
	v8 =	vadd.s32 v6, v10  }
0x38: {  	v6 =	vsel vm4, $0x0, v6;
	v5 =	vadd.s32 v9, v5;
	v8 =	vadd.s32 v54, v8  }
0x39: {  	v5 =	vadd.s32 v6, v5;
	v7 =	vadd.s32 v55, v8;
	v8 =	vsel vm11, $0x1, v1  }
0x3a: {  	v5 =	vadd.s32 v63, v5;
	v6 =	vadd.s32 v8, v7;
	v7 =	vsel vm9, $0x0, v55  }
0x3b: {  	s16 =	simm.s32 $0x810;
	v7 =	vadd.s32 v7, v5;
	v8 =	vadd.s32 $0xFFFFFFFF, v6  }
0x3c: {  	s14 =	simm.s32 $0x1F;
	s15 =	simm.s32 $0x10;
	s13 =	simm.s32 $0x800;
	v5 =	vadd.s32 v4, v7;
	vm15 =	veq.s32 v7, v8  }
.LBB2_3:
0x3d: {  	v7 =	vmov s14  }
0x3e: {  	s18 =	sadd.s32 $0xFFFFFFF1, s14;
	s19 =	sadd.s32 $0xFFFFFFF2, s14;
	s20 =	sadd.s32 $0xFFFFFFF3, s14;
	v4 =	vadd.s32 v4, v6;
	vm5 =	veq.s32 v2, $0x0;
	vm11 =	vmmov vm1  }
0x3f: {  	s22 =	sadd.s32 $0xFFFFFFF6, s14;
	s23 =	sadd.s32 $0xFFFFFFF9, s14;
	v6 =	vmov s18;
	v8 =	vmov s19;
	v9 =	vmov s20  }
0x40: {  	v10 =	vmov s22;
	v13 =	vmov s23;
	v6 =	vand.u32 $0xFFFFFFF0, v6  }
0x41: {  	s17 =	smov.u32 s14;
	s20 =	sadd.s32 $0xFFFFFFF4, s14;
	v8 =	vand.u32 $0xFFFFFFF1, v8;
	v10 =	vand.u32 $0xFFFFFFF5, v10;
	v6 =	vbroadcast v6, $0x0  }
0x42: {  	s21 =	sadd.s32 $0xFFFFFFF5, s17;
	v9 =	vand.u32 $0xFFFFFFF2, v9;
	v11 =	vmov s20;
	v8 =	vbroadcast v8, $0x0  }
0x43: {  	[tilespmem:s13+$0x0] =	vst v5;
	s25 =	sadd.s32 $0xFFFFFFF8, s17;
	v12 =	vmov s21;
	v35 =	vand.u32 $0xFFFFFFF3, v11;
	v10 =	vbroadcast v10, $0x0  }
0x44: {  	s24 =	sadd.s32 $0xFFFFFFF7, s17;
	[tilespmem:v3+s9+$0x0] =	vst.idx.msk vm15, v4;
	v38 =	vmov s25;
	v3 =	vand.u32 $0xFFFFFFF4, v12;
	v4 =	vbroadcast v35, $0x0  }
0x45: {  	s26 =	sadd.s32 $0xFFFFFFFA, s17;
	v36 =	vmov s24;
	v12 =	vand.u32 $0xFFFFFFF7, v38;
	v37 =	vbroadcast v3, $0x0;
	v3 =	vld [tilespmem:s15+$0x0]  }
0x46: {  	s28 =	sadd.s32 $0xFFFFFFFB, s17;
	s29 =	sadd.s32 $0xFFFFFFFC, s17;
	s30 =	sadd.s32 $0xFFFFFFFD, s17;
	v13 =	vand.u32 $0xFFFFFFF8, v13;
	v14 =	vmov s26;
	v12 =	vbroadcast v12, $0x0;
	v7 =	vld.idx.msk [tilespmem:v7+s2+$0x0], $0xffff  }
0x47: {  	s31 =	sadd.s32 $0xFFFFFFFE, s17;
	s17 =	sadd.s32 $0xFFFFFFFF, s17;
	v15 =	vmov s28;
	v16 =	vmov s29;
	v17 =	vmov s30;
	v6 =	vld.idx.msk [tilespmem:v6+s2+$0x0], $0xffff  }
0x48: {  	v18 =	vmov s31;
	v19 =	vmov s17;
	v5 =	vbroadcast v9, $0x0;
	v8 =	vld.idx.msk [tilespmem:v8+s2+$0x0], $0xffff  }
0x49: {  	v9 =	vand.u32 $0xFFFFFFF6, v36;
	v13 =	vbroadcast v13, $0x0;
	v14 =	vand.u32 $0xFFFFFFF9, v14;
	v10 =	vld.idx.msk [tilespmem:v10+s2+$0x0], $0xffff  }
0x4a: {  	v15 =	vand.u32 $0xFFFFFFFA, v15;
	v16 =	vand.u32 $0xFFFFFFFB, v16;
	v17 =	vand.u32 $0xFFFFFFFC, v17;
	v4 =	vld.idx.msk [tilespmem:v4+s2+$0x0], $0xffff  }
0x4b: {  	v18 =	vand.u32 $0xFFFFFFFD, v18;
	v9 =	vbroadcast v9, $0x0;
	v14 =	vbroadcast v14, $0x0;
	v11 =	vld.idx.msk [tilespmem:v37+s2+$0x0], $0xffff  }
0x4c: {  	v40 =	vand.u32 $0xFFFFFFFE, v19;
	v15 =	vbroadcast v15, $0x0;
	v16 =	vbroadcast v16, $0x0;
	v12 =	vld.idx.msk [tilespmem:v12+s2+$0x0], $0xffff  }
0x4d: {  	v45 =	vld [tilespmem:$0x1FFD0];
	v17 =	vbroadcast v17, $0x0;
	vm0 =	veq.s32 v3, v7;
	v7 =	vimm.s32 $0x0  }
0x4e: {  	v39 =	vbroadcast v18, $0x0;
	v18 =	vbroadcast v40, $0x0;
	v5 =	vld.idx.msk [tilespmem:v5+s2+$0x0], $0xffff;
	v7 =	vsel vm0, $0xFFFFFFFF, v7  }
0x4f: {  	vm15 =	veq.s32 v3, v6;
	vm14 =	veq.s32 v3, v8;
	vm0 =	veq.s32 v3, v10  }
0x50: {  	v41 =	vsel vm15, $0x1, v1;
	v42 =	vsel vm14, $0x1, v1;
	vm14 =	veq.s32 v3, v4  }
0x51: {  	v6 =	vld.idx.msk [tilespmem:v9+s2+$0x0], $0xffff;
	vm1 =	veq.s32 v3, v11;
	v48 =	vsel vm0, $0x1, v1;
	vm0 =	veq.s32 v3, v12  }
0x52: {  	v8 =	vsel vm5, $0x0, v41;
	v43 =	vadd.s32 v41, v42;
	v44 =	vsel vm14, $0x1, v1  }
0x53: {  	v56 =	vld [tilespmem:$0x1FFF0];
	vm5 =	vnez.u8 v45;
	vm14 =	veq.s32 v3, v5;
	v47 =	vsel vm1, $0x1, v1  }
0x54: {  	v4 =	vld.idx.msk [tilespmem:v15+s2+$0x0], $0xffff;
	v53 =	vsel vm6, $0x0, v48;
	v54 =	vsel vm0, $0x1, v1;
	v10 =	vsel vm5, $0x0, v42  }
0x55: {  	v5 =	vld.idx.msk [tilespmem:v17+s2+$0x0], $0xffff;
	v46 =	vsel vm3, $0x0, v44;
	v50 =	vsel vm14, $0x1, v1;
	v52 =	vsel vm2, $0x0, v47  }
0x56: {  	v14 =	vld.idx.msk [tilespmem:v14+s2+$0x0], $0xffff;
	vm5 =	vmmov vm10;
	vm10 =	vmmov vm8;
	vm1 =	veq.s32 v3, v6  }
0x57: {  	[tilespmem:$0x1FFC0] =	vst v7;
	v7 =	vld.idx.msk [tilespmem:v13+s2+$0x0], $0xffff;
	v8 =	vadd.s32 v8, v10;
	v13 =	vadd.s32 v50, v43;
	v49 =	vsel vm1, $0x1, v1  }
0x58: {  	vm1 =	vmmov vm9;
	vm9 =	vmmov vm7;
	v20 =	vsel vm7, $0x0, v49  }
0x59: {  	v16 =	vld.idx.msk [tilespmem:v16+s2+$0x0], $0xffff;
	vm7 =	vmmov vm2;
	vm2 =	veq.s32 v3, v4;
	v4 =	vadd.s32 v44, v13  }
0x5a: {  	vm0 =	veq.s32 v3, v5;
	v5 =	vsel vm8, $0x0, v54;
	vm8 =	vmmov vm6  }
0x5b: {  	vm6 =	vmmov vm3;
	vm3 =	veq.s32 v3, v14;
	v4 =	vadd.s32 v47, v4  }
0x5c: {  	v6 =	vld.idx.msk [tilespmem:v39+s2+$0x0], $0xffff;
	v55 =	vsel vm3, $0x1, v1;
	vm3 =	vnez.u8 v56;
	v4 =	vadd.s32 v48, v4  }
0x5d: {  	v51 =	vld.idx.msk [tilespmem:v18+s2+$0x0], $0xffff;
	v10 =	vsel vm3, $0x0, v50;
	vm3 =	veq.s32 v3, v7;
	v4 =	vadd.s32 v49, v4  }
0x5e: {  	vm14 =	veq.s32 v3, v16;
	v57 =	vsel vm3, $0x1, v1;
	v4 =	vadd.s32 v54, v4  }
0x5f: {  	vm15 =	vmmov vm4;
	v59 =	vsel vm14, $0x1, v1;
	v4 =	vadd.s32 v57, v4  }
0x60: {  	v7 =	vsel vm2, $0x1, v1;
	vm2 =	vmmov vm7;
	v4 =	vadd.s32 v55, v4  }
0x61: {  	v58 =	vld [tilespmem:$0x1FFE0];
	vm4 =	veq.s32 v3, v6;
	v6 =	vsel vm0, $0x1, v1;
	v4 =	vadd.s32 v7, v4  }
0x62: {  	vm0 =	veq.s32 v3, v51;
	v8 =	vadd.s32 v10, v8;
	v4 =	vadd.s32 v59, v4  }
0x63: {  	v8 =	vadd.s32 v46, v8;
	v60 =	vsel vm4, $0x1, v1;
	v4 =	vadd.s32 v6, v4  }
0x64: {  	v61 =	vsel vm0, $0x1, v1;
	v8 =	vadd.s32 v52, v8;
	v4 =	vadd.s32 v60, v4  }
0x65: {  	vm7 =	vmmov vm9;
	v8 =	vadd.s32 v53, v8;
	v62 =	vadd.s32 v61, v4;
	v4 =	vld [tilespmem:$0x1FFC0]  }
0x66: {  	vm9 =	vmmov vm1;
	vm1 =	vnez.u8 v58;
	v8 =	vadd.s32 v20, v8  }
0x67: {  	v12 =	vsel vm1, $0x0, v55;
	v10 =	vsel vm11, $0x0, v57;
	v5 =	vadd.s32 v5, v8  }
0x68: {  	vm1 =	vmmov vm11;
	vm3 =	vmmov vm6;
	v5 =	vadd.s32 v10, v5  }
0x69: {  	vm6 =	vmmov vm8;
	v7 =	vsel vm13, $0x0, v7;
	v5 =	vadd.s32 v12, v5  }
0x6a: {  	p0 =	sne.s32 s14, $0x7FF;
	v8 =	vsel vm5, $0x0, v59;
	v5 =	vadd.s32 v7, v5;
	vm0 =	vnez.u8 v4;
	v4 =	vld.idx.msk [tilespmem:v3+s9+$0x0], $0xffff  }
.Ltmp1:
0x6b: {  	vm8 =	vmmov vm10;
	v7 =	vsel vm15, $0x0, v6;
	v5 =	vadd.s32 v8, v5;
	(pc) =	sbr.rel @p0 .LBB2_3-.Ltmp1, $4  }
0x6c: {  	v8 =	vsel vm12, $0x0, v60;
	v5 =	vadd.s32 v7, v5;
	v63 =	vsel vm0, $0x1, v1  }
0x6d: {  	v7 =	vsel vm9, $0x0, v61;
	v5 =	vadd.s32 v8, v5;
	v6 =	vadd.s32 v63, v62  }
0x6e: {  	s13 =	smov.u32 s16;
	vm10 =	vmmov vm5;
	v7 =	vadd.s32 v7, v5;
	v8 =	vadd.s32 $0xFFFFFFFF, v6  }
0x6f: {  	s16 =	sadd.s32 $0x10, s16;
	s14 =	sadd.s32 $0x10, s14;
	s15 =	sadd.s32 $0x10, s15;
	vm4 =	vmmov vm15;
	vm15 =	veq.s32 v7, v8;
	v5 =	vadd.s32 v4, v7  }
0x70: {  	_ =	sdelay $0x3  }
0x71: {  	v4 =	vadd.s32 v4, v6;
	[tilespmem:s13+$0x0] =	vst v5  }
0x72: {  	[tilespmem:v3+s9+$0x0] =	vst.idx.msk vm15, v4  }
0x73: {  	v3 =	vld [tilespmem:$0x1800]  }
0x74: {  	v4 =	vld [tilespmem:$0x1810];
	_ =	sdelay $0x3  }
0x75: {  	(xrf0) =	vadd.scan.msk.s32 $0xffff, v3  }
0x76: {  	(xrf0) =	vadd.scan.msk.s32 $0xffff, v4  }
0x77: {  	v7 =	vld [tilespmem:$0x1FFF0];
	_ =	sdelay $0x3  }
0x78: {  	v5, _, _ =	vpop (xrf0)  }
0x79: {  	vm0 =	vnez.u8 v7;
	v6, _, _ =	vpop (xrf0);
	v7 =	vbroadcast v5, $0xF  }
0x7a: {  	v3 =	vsub.s32 v5, v3;
	v4 =	vsub.s32 v6, v4  }
0x7b: {  	[tilespmem:$0x1880] =	vst v3;
	v3 =	vadd.s32 v7, v4  }
0x7c: {  	s13 =	simm.s32 $0x0;
	[tilespmem:$0x1890] =	vst v3  }
0x7d: {  	v3 =	vld [tilespmem:s13+$0x0];
	_ =	sdelay $0x6  }
0x7e: {  	v4 =	vld [tilespmem:s13+$0x800]  }
0x7f: {  	s14 =	simm.s32 $0x10;
	s15 =	simm.s32 $0x80;
	v3 =	vld.idx.msk [tilespmem:v3+s10+$0x0], $0xffff  }
.LBB2_5:
0x80: {  	p0 =	sne.s32 s15, $0x1FC0;
	v5 =	vld [tilespmem:s14+$0x0];
	_ =	sdelay $0x3  }
0x81: {  	v3 =	vadd.s32 v3, v4  }
.Ltmp2:
0x82: {  	v3 =	vshra.s32 v3, $0x6;
	(pc) =	sbr.rel @p0 .LBB2_5-.Ltmp2, $4  }
0x83: {  	v3 =	vadd.s32 v0, v3  }
0x84: {  	[tilespmem:s13+$0x1000] =	vst v3;
	s13 =	smov.u32 s14  }
0x85: {  	v3 =	vld.idx.msk [tilespmem:v5+s10+$0x0], $0xffff  }
0x86: {  	s14 =	sshra.s32 s15, $0x2;
	s15 =	sadd.s32 $0x40, s15;
	v4 =	vld [tilespmem:s13+$0x800]  }
0x87: {  	v5 =	vld [tilespmem:s14+$0x0];
	_ =	sdelay $0x3  }
0x88: {  	v3 =	vadd.s32 v3, v4  }
0x89: {  	v3 =	vshra.s32 v3, $0x6  }
0x8a: {  	v3 =	vadd.s32 v0, v3  }
0x8b: {  	[tilespmem:s13+$0x1000] =	vst v3  }
0x8c: {  	v3 =	vld.idx.msk [tilespmem:v5+s10+$0x0], $0xffff  }
0x8d: {  	v63 =	vld [tilespmem:s14+$0x800];
	_ =	sdelay $0x4  }
0x8e: {  	v3 =	vadd.s32 v3, v63  }
0x8f: {  	s12 =	sadd.s32 $0x1, s12;
	v3 =	vshra.s32 v3, $0x6  }
0x90: {  	p0 =	sne.s32 s12, s5;
	v3 =	vadd.s32 v0, v3  }
.Ltmp3:
0x91: {  	[tilespmem:s14+$0x1000] =	vst v3;
	(pc) =	sbr.rel @p0 .LBB2_2-.Ltmp3, $4  }
0x92: {  	[hbm4b:s3+s6] =	stream.strided.scatter [tilespmem:s11], [sflag:$0x1], $0x800, s7, s6, $0x38;
	[tilespmem:$0x1900] =	vst v63  }
0x93: {  	_ =	swait.ge [sflag:s8], $0x800  }
0x94: {  	[sflag:s8] =	ssyncset.done $0x0  }
0x95: {  	[sflag:s8] =	ssyncadd.s32 $0xFFFFF800  }
.LBB2_7:
0x96: {  	_ =	sfence.sel $0x180000  }
0x97: {  	[bflag:$0x0] =	sbarrier.arrive $0xFFFF  }
0x98: {  	p0 =	sne.s32 s1, $0x0;
	_ =	strace $0x90000047  }
0x99: {  	s0 =	sadd.s32 @!p0 $0x100000, s0;
	[bflag:$0x2] =	sbarrier.arrive $0xFFFF  }
0x9a: {  	[sflag:s0] =	ssyncadd.tile.s32 @!p0 $0x1;
	_ =	shalt  }
.Lfunc_end2:
_tile_overlayer_lowered:
.L_overlay_start_2:
0x9b: {  	(tag) =	ssettag $0x2  }
0x9c: {  	s0 =	rddreg [dreg:$0x0];
	s2 =	stileid.u32  }
0x9d: {  	s1 =	rddreg [dreg:$0x1];
	p0 =	sne.s32 s2, $0x0  }
0x9e: {  	s3 =	rddreg [dreg:$0x2];
	[bflag:$0x3] =	sbarrier.arrive $0xFFFF;
	s2 =	simm.s32 @!p0 $0x1C01  }
0x9f: {  	[timem:s3], [sflag:s2] =	dma.local @!p0 [hbm:s0], s1  }
0xa0: {  	s0 =	simm.s32 @!p0 $0x1  }
0xa1: {  	_ =	swait.ge @!p0 [sflag:s0], s1  }
0xa2: {  	s1 =	ssub.s32 @!p0 $0x0, s1;
	[sflag:s0] =	ssyncset.done @!p0 $0x0  }
0xa3: {  	[sflag:s0] =	ssyncadd.s32 @!p0 s1  }
0xa4: {  	[bflag:$0x3] =	sbarrier.arrive $0xFFFF  }
0xa5: {  	_ =	shalt  }

</sc_bundles>
